<compile_context>
chip_gen: v7x
topology: tpu7x:2x2x1
jax: 0.10.2.dev20260603
libtpu: 0.0.44.dev20260713+nightly
codegen_flags: <defaults>
</compile_context>

<pallas_src>
import functools

import jax
import jax.numpy as jnp
from jax import lax
from jax.experimental import pallas as pl
from jax.experimental.pallas import tpu as pltpu
from jax.experimental.pallas import tpu_sc as plsc

EMB = 64
BATCH = 16384
N_MONTH = 12
N_HOUR = 24


def _build_call():
    info = plsc.get_sparse_core_info()
    nc, ns = info.num_cores, info.num_subcores
    nw = nc * ns
    bpw = BATCH // nw
    nchunk = bpw // 64

    mesh = plsc.VectorSubcoreMesh(core_axis_name="c", subcore_axis_name="s")

    @functools.partial(
        pl.kernel,
        mesh=mesh,
        out_type=jax.ShapeDtypeStruct((BATCH, 2 * EMB), jnp.float32),
        scratch_types=[
            pltpu.VMEM((bpw,), jnp.int32),
            pltpu.VMEM((bpw,), jnp.int32),
            pltpu.VMEM((nchunk, 64), jnp.int32),
            pltpu.VMEM((bpw, 2 * EMB), jnp.float32),
            pltpu.VMEM((N_HOUR, 2 * EMB), jnp.float32),
            pltpu.VMEM_SHARED((N_MONTH * N_HOUR, 2 * EMB), jnp.float32),
            pltpu.SemaphoreType.DMA,
            pltpu.SemaphoreType.DMA,
            pltpu.SemaphoreType.DMA,
            pltpu.SemaphoreType.DMA,
        ],
    )
    def fused(mon_hbm, hr_hbm, months_hbm, hours_hbm, out_hbm,
              mon_v, hr_v, idx_v, rows_v, buf_v, tbl2_s,
              sem_i, sem_b, sem_g, sem_w):
        cid = lax.axis_index("c")
        sid = lax.axis_index("s")
        wid = sid * nc + cid
        base = wid * bpw

        ld_m = pltpu.async_copy(months_hbm.at[pl.ds(base, bpw)], mon_v, sem_i)
        ld_h = pltpu.async_copy(hours_hbm.at[pl.ds(base, bpw)], hr_v, sem_i)

        @pl.when(sid < N_MONTH)
        def _():
            for h in range(N_HOUR):
                pltpu.async_copy(hr_hbm.at[h],
                                 buf_v.at[h, pl.ds(EMB, EMB)], sem_b)
            pltpu.async_copy(mon_hbm.at[sid],
                             buf_v.at[0, pl.ds(0, EMB)], sem_b)

        ld_m.wait()
        ld_h.wait()

        def body(j, carry):
            m = mon_v[pl.ds(j * 16, 16)]
            h = hr_v[pl.ds(j * 16, 16)]
            r = lax.shift_right_logical(j, 2)
            cb = (j & 3) * 16
            idx_v[r, pl.ds(cb, 16)] = m * N_HOUR + h
            return carry

        lax.fori_loop(0, bpw // 16, body, 0)

        @pl.when(sid < N_MONTH)
        def _():
            for h in range(N_HOUR):
                pltpu.make_async_copy(hr_hbm.at[h],
                                      buf_v.at[h, pl.ds(EMB, EMB)],
                                      sem_b).wait()
            pltpu.make_async_copy(mon_hbm.at[sid],
                                  buf_v.at[0, pl.ds(0, EMB)], sem_b).wait()
            for c4 in range(EMB // 16):
                v0 = buf_v[0, pl.ds(c4 * 16, 16)]

                def rep(h, carry):
                    buf_v[h, pl.ds(c4 * 16, 16)] = carry
                    return carry

                lax.fori_loop(1, N_HOUR, rep, v0)
            pltpu.async_copy(
                buf_v, tbl2_s.at[pl.ds(sid * N_HOUR, N_HOUR)], sem_b
            ).wait()

        plsc.subcore_barrier()

        gathers = [
            pltpu.async_copy(tbl2_s.at[idx_v.at[k]],
                             rows_v.at[pl.ds(k * 64, 64)], sem_g)
            for k in range(nchunk)
        ]
        writes = []
        for k in range(nchunk):
            gathers[k].wait()
            writes.append(
                pltpu.async_copy(rows_v.at[pl.ds(k * 64, 64)],
                                 out_hbm.at[pl.ds(base + k * 64, 64)],
                                 sem_w))
        for w in writes:
            w.wait()

    return fused


def kernel(months, hours, month_table, hour_table):
    return _build_call()(month_table, hour_table,
                         months.astype(jnp.int32),
                         hours.astype(jnp.int32))

# --- scband reference (transcript-rebuilt; emitter-appended) ---
"""Pipeline reference for scband-seasonal-embedding-46746424049932 (READ-ONLY COPY).

The authoritative reference and input builder live on the scoring server;
editing this copy changes nothing except your own understanding.
"""

import jax, jax.numpy as jnp
import numpy as np

EMBEDDING_DIM = 128
BATCH = 16384

def setup_inputs(seed: int = 0) -> dict:
    key = jax.random.key(seed)
    k1, k2, k3, k4 = jax.random.split(key, 4)
    months = jax.random.randint(k1, (BATCH,), 0, 12, dtype=jnp.int64) if jax.config.jax_enable_x64 else jax.random.randint(k1, (BATCH,), 0, 12, dtype=jnp.int32)
    hours = jax.random.randint(k2, (BATCH,), 0, 24, dtype=jnp.int32)
    month_table = jax.random.normal(k3, (12, EMBEDDING_DIM // 2), dtype=jnp.float32)
    hour_table = jax.random.normal(k4, (24, EMBEDDING_DIM // 2), dtype=jnp.float32)
    return {"months": months, "hours": hours, "month_table": month_table, "hour_table": hour_table}

def reference(months, hours, month_table, hour_table):
    month_emb = jnp.take(month_table, months, axis=0)
    hour_emb = jnp.take(hour_table, hours, axis=0)
    return jnp.concatenate([month_emb, hour_emb], axis=1)

if __name__ == "__main__":
    import jax
    _d = setup_inputs()
    print(jax.jit(kernel)(*tuple(_d.values())))

</pallas_src>

<mosaic_0001>
#map = affine_map<(d0, d1) -> (0, 0)>
#map1 = affine_map<(d0, d1) -> (0)>
module attributes {stable_mosaic.version = 14 : i64} {
  func.func @fused(%arg0: i32, %arg1: i32, %arg2: memref<12x64xf32, #tpu.memory_space<hbm>>, %arg3: memref<24x64xf32, #tpu.memory_space<hbm>>, %arg4: memref<16384xi32, #tpu.memory_space<hbm>>, %arg5: memref<16384xi32, #tpu.memory_space<hbm>>, %arg6: memref<16384x128xf32, #tpu.memory_space<hbm>>, %arg7: memref<512xi32, #tpu.memory_space<vmem>>, %arg8: memref<512xi32, #tpu.memory_space<vmem>>, %arg9: memref<8x64xi32, #tpu.memory_space<vmem>>, %arg10: memref<512x128xf32, #tpu.memory_space<vmem>>, %arg11: memref<24x128xf32, #tpu.memory_space<vmem>>, %arg12: memref<288x128xf32, #tpu.memory_space<vmem_shared>>, %arg13: memref<!tpu.dma_semaphore, #tpu.memory_space<semaphore_mem>>, %arg14: memref<!tpu.dma_semaphore, #tpu.memory_space<semaphore_mem>>, %arg15: memref<!tpu.dma_semaphore, #tpu.memory_space<semaphore_mem>>, %arg16: memref<!tpu.dma_semaphore, #tpu.memory_space<semaphore_mem>>) attributes {dimension_semantics = [#tpu.dimension_semantics<core_parallel>, #tpu.dimension_semantics<subcore_parallel>], iteration_bounds = array<i64: 2, 16>, scalar_prefetch = 0 : i64, scratch_operands = 10 : i64, tpu.core_type = #tpu.core_type<sc_vector_subcore>, window_params = [{transform_indices = #map}, {transform_indices = #map}, {transform_indices = #map1}, {transform_indices = #map1}, {transform_indices = #map}]} {
    %mul3A = arith.constant 2 : i32
    %mul3A_0 = arith.muli %arg1, %mul3A : i32
    %add3A = arith.addi %mul3A_0, %arg0 : i32
    %mul3A_1 = arith.constant 512 : i32
    %mul3A_2 = arith.muli %add3A, %mul3A_1 : i32
    %dma_start3A = tpu.memref_slice %arg4[%mul3A_2] : memref<16384xi32, #tpu.memory_space<hbm>> -> memref<512xi32, #tpu.memory_space<hbm>>
    %dma_start3A_3 = tpu.memref_slice %arg4[%mul3A_2] : memref<16384xi32, #tpu.memory_space<hbm>> -> memref<512xi32, #tpu.memory_space<hbm>>
    tpu.enqueue_dma source(%dma_start3A_3 : memref<512xi32, #tpu.memory_space<hbm>>) target(%arg7 : memref<512xi32, #tpu.memory_space<vmem>>) target_semaphore(%arg13 : memref<!tpu.dma_semaphore, #tpu.memory_space<semaphore_mem>>)
    %dma_start3A_4 = tpu.memref_slice %arg5[%mul3A_2] : memref<16384xi32, #tpu.memory_space<hbm>> -> memref<512xi32, #tpu.memory_space<hbm>>
    %dma_start3A_5 = tpu.memref_slice %arg5[%mul3A_2] : memref<16384xi32, #tpu.memory_space<hbm>> -> memref<512xi32, #tpu.memory_space<hbm>>
    tpu.enqueue_dma source(%dma_start3A_5 : memref<512xi32, #tpu.memory_space<hbm>>) target(%arg8 : memref<512xi32, #tpu.memory_space<vmem>>) target_semaphore(%arg13 : memref<!tpu.dma_semaphore, #tpu.memory_space<semaphore_mem>>)
    %lt3A = arith.constant 12 : i32
    %lt3A_6 = arith.cmpi slt, %arg1, %lt3A : i32
    %convert_element_type3A = arith.extui %lt3A_6 : i1 to i32
    %cond3A = arith.constant 0 : i32
    %cond3A_7 = arith.cmpi ne, %convert_element_type3A, %cond3A : i32
    scf.if %cond3A_7 {
      %dma_start3A_357 = arith.constant 0 : i32
      %dma_start3A_358 = arith.constant 0 : i32
      %dma_start3A_359 = arith.constant 64 : i32
      %dma_start3A_360 = tpu.memref_slice %arg11[%dma_start3A_358, %dma_start3A_359] : memref<24x128xf32, #tpu.memory_space<vmem>> -> memref<1x64xf32, #tpu.memory_space<vmem>>
      %dma_start3A_361 = tpu.memref_squeeze %dma_start3A_360 : memref<1x64xf32, #tpu.memory_space<vmem>> -> memref<64xf32, #tpu.memory_space<vmem>>
      %dma_start3A_362 = arith.constant 0 : i32
      %dma_start3A_363 = tpu.memref_slice %arg3[%dma_start3A_357, %dma_start3A_362] : memref<24x64xf32, #tpu.memory_space<hbm>> -> memref<1x64xf32, #tpu.memory_space<hbm>>
      %dma_start3A_364 = tpu.memref_squeeze %dma_start3A_363 : memref<1x64xf32, #tpu.memory_space<hbm>> -> memref<64xf32, #tpu.memory_space<hbm>>
      %dma_start3A_365 = arith.constant 64 : i32
      %dma_start3A_366 = tpu.memref_slice %arg11[%dma_start3A_358, %dma_start3A_365] : memref<24x128xf32, #tpu.memory_space<vmem>> -> memref<1x64xf32, #tpu.memory_space<vmem>>
      %dma_start3A_367 = tpu.memref_squeeze %dma_start3A_366 : memref<1x64xf32, #tpu.memory_space<vmem>> -> memref<64xf32, #tpu.memory_space<vmem>>
      %dma_start3A_368 = arith.constant 0 : i32
      %dma_start3A_369 = tpu.memref_slice %arg3[%dma_start3A_357, %dma_start3A_368] : memref<24x64xf32, #tpu.memory_space<hbm>> -> memref<1x64xf32, #tpu.memory_space<hbm>>
      %dma_start3A_370 = tpu.memref_squeeze %dma_start3A_369 : memref<1x64xf32, #tpu.memory_space<hbm>> -> memref<64xf32, #tpu.memory_space<hbm>>
      tpu.enqueue_dma source(%dma_start3A_370 : memref<64xf32, #tpu.memory_space<hbm>>) target(%dma_start3A_367 : memref<64xf32, #tpu.memory_space<vmem>>) target_semaphore(%arg14 : memref<!tpu.dma_semaphore, #tpu.memory_space<semaphore_mem>>)
      %dma_start3A_371 = arith.constant 1 : i32
      %dma_start3A_372 = arith.constant 1 : i32
      %dma_start3A_373 = arith.constant 64 : i32
      %dma_start3A_374 = tpu.memref_slice %arg11[%dma_start3A_372, %dma_start3A_373] : memref<24x128xf32, #tpu.memory_space<vmem>> -> memref<1x64xf32, #tpu.memory_space<vmem>>
      %dma_start3A_375 = tpu.memref_squeeze %dma_start3A_374 : memref<1x64xf32, #tpu.memory_space<vmem>> -> memref<64xf32, #tpu.memory_space<vmem>>
      %dma_start3A_376 = arith.constant 0 : i32
      %dma_start3A_377 = tpu.memref_slice %arg3[%dma_start3A_371, %dma_start3A_376] : memref<24x64xf32, #tpu.memory_space<hbm>> -> memref<1x64xf32, #tpu.memory_space<hbm>>
      %dma_start3A_378 = tpu.memref_squeeze %dma_start3A_377 : memref<1x64xf32, #tpu.memory_space<hbm>> -> memref<64xf32, #tpu.memory_space<hbm>>
      %dma_start3A_379 = arith.constant 64 : i32
      %dma_start3A_380 = tpu.memref_slice %arg11[%dma_start3A_372, %dma_start3A_379] : memref<24x128xf32, #tpu.memory_space<vmem>> -> memref<1x64xf32, #tpu.memory_space<vmem>>
      %dma_start3A_381 = tpu.memref_squeeze %dma_start3A_380 : memref<1x64xf32, #tpu.memory_space<vmem>> -> memref<64xf32, #tpu.memory_space<vmem>>
      %dma_start3A_382 = arith.constant 0 : i32
      %dma_start3A_383 = tpu.memref_slice %arg3[%dma_start3A_371, %dma_start3A_382] : memref<24x64xf32, #tpu.memory_space<hbm>> -> memref<1x64xf32, #tpu.memory_space<hbm>>
      %dma_start3A_384 = tpu.memref_squeeze %dma_start3A_383 : memref<1x64xf32, #tpu.memory_space<hbm>> -> memref<64xf32, #tpu.memory_space<hbm>>
      tpu.enqueue_dma source(%dma_start3A_384 : memref<64xf32, #tpu.memory_space<hbm>>) target(%dma_start3A_381 : memref<64xf32, #tpu.memory_space<vmem>>) target_semaphore(%arg14 : memref<!tpu.dma_semaphore, #tpu.memory_space<semaphore_mem>>)
      %dma_start3A_385 = arith.constant 2 : i32
      %dma_start3A_386 = arith.constant 2 : i32
      %dma_start3A_387 = arith.constant 64 : i32
      %dma_start3A_388 = tpu.memref_slice %arg11[%dma_start3A_386, %dma_start3A_387] : memref<24x128xf32, #tpu.memory_space<vmem>> -> memref<1x64xf32, #tpu.memory_space<vmem>>
      %dma_start3A_389 = tpu.memref_squeeze %dma_start3A_388 : memref<1x64xf32, #tpu.memory_space<vmem>> -> memref<64xf32, #tpu.memory_space<vmem>>
      %dma_start3A_390 = arith.constant 0 : i32
      %dma_start3A_391 = tpu.memref_slice %arg3[%dma_start3A_385, %dma_start3A_390] : memref<24x64xf32, #tpu.memory_space<hbm>> -> memref<1x64xf32, #tpu.memory_space<hbm>>
      %dma_start3A_392 = tpu.memref_squeeze %dma_start3A_391 : memref<1x64xf32, #tpu.memory_space<hbm>> -> memref<64xf32, #tpu.memory_space<hbm>>
      %dma_start3A_393 = arith.constant 64 : i32
      %dma_start3A_394 = tpu.memref_slice %arg11[%dma_start3A_386, %dma_start3A_393] : memref<24x128xf32, #tpu.memory_space<vmem>> -> memref<1x64xf32, #tpu.memory_space<vmem>>
      %dma_start3A_395 = tpu.memref_squeeze %dma_start3A_394 : memref<1x64xf32, #tpu.memory_space<vmem>> -> memref<64xf32, #tpu.memory_space<vmem>>
      %dma_start3A_396 = arith.constant 0 : i32
      %dma_start3A_397 = tpu.memref_slice %arg3[%dma_start3A_385, %dma_start3A_396] : memref<24x64xf32, #tpu.memory_space<hbm>> -> memref<1x64xf32, #tpu.memory_space<hbm>>
      %dma_start3A_398 = tpu.memref_squeeze %dma_start3A_397 : memref<1x64xf32, #tpu.memory_space<hbm>> -> memref<64xf32, #tpu.memory_space<hbm>>
      tpu.enqueue_dma source(%dma_start3A_398 : memref<64xf32, #tpu.memory_space<hbm>>) target(%dma_start3A_395 : memref<64xf32, #tpu.memory_space<vmem>>) target_semaphore(%arg14 : memref<!tpu.dma_semaphore, #tpu.memory_space<semaphore_mem>>)
      %dma_start3A_399 = arith.constant 3 : i32
      %dma_start3A_400 = arith.constant 3 : i32
      %dma_start3A_401 = arith.constant 64 : i32
      %dma_start3A_402 = tpu.memref_slice %arg11[%dma_start3A_400, %dma_start3A_401] : memref<24x128xf32, #tpu.memory_space<vmem>> -> memref<1x64xf32, #tpu.memory_space<vmem>>
      %dma_start3A_403 = tpu.memref_squeeze %dma_start3A_402 : memref<1x64xf32, #tpu.memory_space<vmem>> -> memref<64xf32, #tpu.memory_space<vmem>>
      %dma_start3A_404 = arith.constant 0 : i32
      %dma_start3A_405 = tpu.memref_slice %arg3[%dma_start3A_399, %dma_start3A_404] : memref<24x64xf32, #tpu.memory_space<hbm>> -> memref<1x64xf32, #tpu.memory_space<hbm>>
      %dma_start3A_406 = tpu.memref_squeeze %dma_start3A_405 : memref<1x64xf32, #tpu.memory_space<hbm>> -> memref<64xf32, #tpu.memory_space<hbm>>
      %dma_start3A_407 = arith.constant 64 : i32
      %dma_start3A_408 = tpu.memref_slice %arg11[%dma_start3A_400, %dma_start3A_407] : memref<24x128xf32, #tpu.memory_space<vmem>> -> memref<1x64xf32, #tpu.memory_space<vmem>>
      %dma_start3A_409 = tpu.memref_squeeze %dma_start3A_408 : memref<1x64xf32, #tpu.memory_space<vmem>> -> memref<64xf32, #tpu.memory_space<vmem>>
      %dma_start3A_410 = arith.constant 0 : i32
      %dma_start3A_411 = tpu.memref_slice %arg3[%dma_start3A_399, %dma_start3A_410] : memref<24x64xf32, #tpu.memory_space<hbm>> -> memref<1x64xf32, #tpu.memory_space<hbm>>
      %dma_start3A_412 = tpu.memref_squeeze %dma_start3A_411 : memref<1x64xf32, #tpu.memory_space<hbm>> -> memref<64xf32, #tpu.memory_space<hbm>>
      tpu.enqueue_dma source(%dma_start3A_412 : memref<64xf32, #tpu.memory_space<hbm>>) target(%dma_start3A_409 : memref<64xf32, #tpu.memory_space<vmem>>) target_semaphore(%arg14 : memref<!tpu.dma_semaphore, #tpu.memory_space<semaphore_mem>>)
      %dma_start3A_413 = arith.constant 4 : i32
      %dma_start3A_414 = arith.constant 4 : i32
      %dma_start3A_415 = arith.constant 64 : i32
      %dma_start3A_416 = tpu.memref_slice %arg11[%dma_start3A_414, %dma_start3A_415] : memref<24x128xf32, #tpu.memory_space<vmem>> -> memref<1x64xf32, #tpu.memory_space<vmem>>
      %dma_start3A_417 = tpu.memref_squeeze %dma_start3A_416 : memref<1x64xf32, #tpu.memory_space<vmem>> -> memref<64xf32, #tpu.memory_space<vmem>>
      %dma_start3A_418 = arith.constant 0 : i32
      %dma_start3A_419 = tpu.memref_slice %arg3[%dma_start3A_413, %dma_start3A_418] : memref<24x64xf32, #tpu.memory_space<hbm>> -> memref<1x64xf32, #tpu.memory_space<hbm>>
      %dma_start3A_420 = tpu.memref_squeeze %dma_start3A_419 : memref<1x64xf32, #tpu.memory_space<hbm>> -> memref<64xf32, #tpu.memory_space<hbm>>
      %dma_start3A_421 = arith.constant 64 : i32
      %dma_start3A_422 = tpu.memref_slice %arg11[%dma_start3A_414, %dma_start3A_421] : memref<24x128xf32, #tpu.memory_space<vmem>> -> memref<1x64xf32, #tpu.memory_space<vmem>>
      %dma_start3A_423 = tpu.memref_squeeze %dma_start3A_422 : memref<1x64xf32, #tpu.memory_space<vmem>> -> memref<64xf32, #tpu.memory_space<vmem>>
      %dma_start3A_424 = arith.constant 0 : i32
      %dma_start3A_425 = tpu.memref_slice %arg3[%dma_start3A_413, %dma_start3A_424] : memref<24x64xf32, #tpu.memory_space<hbm>> -> memref<1x64xf32, #tpu.memory_space<hbm>>
      %dma_start3A_426 = tpu.memref_squeeze %dma_start3A_425 : memref<1x64xf32, #tpu.memory_space<hbm>> -> memref<64xf32, #tpu.memory_space<hbm>>
      tpu.enqueue_dma source(%dma_start3A_426 : memref<64xf32, #tpu.memory_space<hbm>>) target(%dma_start3A_423 : memref<64xf32, #tpu.memory_space<vmem>>) target_semaphore(%arg14 : memref<!tpu.dma_semaphore, #tpu.memory_space<semaphore_mem>>)
      %dma_start3A_427 = arith.constant 5 : i32
      %dma_start3A_428 = arith.constant 5 : i32
      %dma_start3A_429 = arith.constant 64 : i32
      %dma_start3A_430 = tpu.memref_slice %arg11[%dma_start3A_428, %dma_start3A_429] : memref<24x128xf32, #tpu.memory_space<vmem>> -> memref<1x64xf32, #tpu.memory_space<vmem>>
      %dma_start3A_431 = tpu.memref_squeeze %dma_start3A_430 : memref<1x64xf32, #tpu.memory_space<vmem>> -> memref<64xf32, #tpu.memory_space<vmem>>
      %dma_start3A_432 = arith.constant 0 : i32
      %dma_start3A_433 = tpu.memref_slice %arg3[%dma_start3A_427, %dma_start3A_432] : memref<24x64xf32, #tpu.memory_space<hbm>> -> memref<1x64xf32, #tpu.memory_space<hbm>>
      %dma_start3A_434 = tpu.memref_squeeze %dma_start3A_433 : memref<1x64xf32, #tpu.memory_space<hbm>> -> memref<64xf32, #tpu.memory_space<hbm>>
      %dma_start3A_435 = arith.constant 64 : i32
      %dma_start3A_436 = tpu.memref_slice %arg11[%dma_start3A_428, %dma_start3A_435] : memref<24x128xf32, #tpu.memory_space<vmem>> -> memref<1x64xf32, #tpu.memory_space<vmem>>
      %dma_start3A_437 = tpu.memref_squeeze %dma_start3A_436 : memref<1x64xf32, #tpu.memory_space<vmem>> -> memref<64xf32, #tpu.memory_space<vmem>>
      %dma_start3A_438 = arith.constant 0 : i32
      %dma_start3A_439 = tpu.memref_slice %arg3[%dma_start3A_427, %dma_start3A_438] : memref<24x64xf32, #tpu.memory_space<hbm>> -> memref<1x64xf32, #tpu.memory_space<hbm>>
      %dma_start3A_440 = tpu.memref_squeeze %dma_start3A_439 : memref<1x64xf32, #tpu.memory_space<hbm>> -> memref<64xf32, #tpu.memory_space<hbm>>
      tpu.enqueue_dma source(%dma_start3A_440 : memref<64xf32, #tpu.memory_space<hbm>>) target(%dma_start3A_437 : memref<64xf32, #tpu.memory_space<vmem>>) target_semaphore(%arg14 : memref<!tpu.dma_semaphore, #tpu.memory_space<semaphore_mem>>)
      %dma_start3A_441 = arith.constant 6 : i32
      %dma_start3A_442 = arith.constant 6 : i32
      %dma_start3A_443 = arith.constant 64 : i32
      %dma_start3A_444 = tpu.memref_slice %arg11[%dma_start3A_442, %dma_start3A_443] : memref<24x128xf32, #tpu.memory_space<vmem>> -> memref<1x64xf32, #tpu.memory_space<vmem>>
      %dma_start3A_445 = tpu.memref_squeeze %dma_start3A_444 : memref<1x64xf32, #tpu.memory_space<vmem>> -> memref<64xf32, #tpu.memory_space<vmem>>
      %dma_start3A_446 = arith.constant 0 : i32
      %dma_start3A_447 = tpu.memref_slice %arg3[%dma_start3A_441, %dma_start3A_446] : memref<24x64xf32, #tpu.memory_space<hbm>> -> memref<1x64xf32, #tpu.memory_space<hbm>>
      %dma_start3A_448 = tpu.memref_squeeze %dma_start3A_447 : memref<1x64xf32, #tpu.memory_space<hbm>> -> memref<64xf32, #tpu.memory_space<hbm>>
      %dma_start3A_449 = arith.constant 64 : i32
      %dma_start3A_450 = tpu.memref_slice %arg11[%dma_start3A_442, %dma_start3A_449] : memref<24x128xf32, #tpu.memory_space<vmem>> -> memref<1x64xf32, #tpu.memory_space<vmem>>
      %dma_start3A_451 = tpu.memref_squeeze %dma_start3A_450 : memref<1x64xf32, #tpu.memory_space<vmem>> -> memref<64xf32, #tpu.memory_space<vmem>>
      %dma_start3A_452 = arith.constant 0 : i32
      %dma_start3A_453 = tpu.memref_slice %arg3[%dma_start3A_441, %dma_start3A_452] : memref<24x64xf32, #tpu.memory_space<hbm>> -> memref<1x64xf32, #tpu.memory_space<hbm>>
      %dma_start3A_454 = tpu.memref_squeeze %dma_start3A_453 : memref<1x64xf32, #tpu.memory_space<hbm>> -> memref<64xf32, #tpu.memory_space<hbm>>
      tpu.enqueue_dma source(%dma_start3A_454 : memref<64xf32, #tpu.memory_space<hbm>>) target(%dma_start3A_451 : memref<64xf32, #tpu.memory_space<vmem>>) target_semaphore(%arg14 : memref<!tpu.dma_semaphore, #tpu.memory_space<semaphore_mem>>)
      %dma_start3A_455 = arith.constant 7 : i32
      %dma_start3A_456 = arith.constant 7 : i32
      %dma_start3A_457 = arith.constant 64 : i32
      %dma_start3A_458 = tpu.memref_slice %arg11[%dma_start3A_456, %dma_start3A_457] : memref<24x128xf32, #tpu.memory_space<vmem>> -> memref<1x64xf32, #tpu.memory_space<vmem>>
      %dma_start3A_459 = tpu.memref_squeeze %dma_start3A_458 : memref<1x64xf32, #tpu.memory_space<vmem>> -> memref<64xf32, #tpu.memory_space<vmem>>
      %dma_start3A_460 = arith.constant 0 : i32
      %dma_start3A_461 = tpu.memref_slice %arg3[%dma_start3A_455, %dma_start3A_460] : memref<24x64xf32, #tpu.memory_space<hbm>> -> memref<1x64xf32, #tpu.memory_space<hbm>>
      %dma_start3A_462 = tpu.memref_squeeze %dma_start3A_461 : memref<1x64xf32, #tpu.memory_space<hbm>> -> memref<64xf32, #tpu.memory_space<hbm>>
      %dma_start3A_463 = arith.constant 64 : i32
      %dma_start3A_464 = tpu.memref_slice %arg11[%dma_start3A_456, %dma_start3A_463] : memref<24x128xf32, #tpu.memory_space<vmem>> -> memref<1x64xf32, #tpu.memory_space<vmem>>
      %dma_start3A_465 = tpu.memref_squeeze %dma_start3A_464 : memref<1x64xf32, #tpu.memory_space<vmem>> -> memref<64xf32, #tpu.memory_space<vmem>>
      %dma_start3A_466 = arith.constant 0 : i32
      %dma_start3A_467 = tpu.memref_slice %arg3[%dma_start3A_455, %dma_start3A_466] : memref<24x64xf32, #tpu.memory_space<hbm>> -> memref<1x64xf32, #tpu.memory_space<hbm>>
      %dma_start3A_468 = tpu.memref_squeeze %dma_start3A_467 : memref<1x64xf32, #tpu.memory_space<hbm>> -> memref<64xf32, #tpu.memory_space<hbm>>
      tpu.enqueue_dma source(%dma_start3A_468 : memref<64xf32, #tpu.memory_space<hbm>>) target(%dma_start3A_465 : memref<64xf32, #tpu.memory_space<vmem>>) target_semaphore(%arg14 : memref<!tpu.dma_semaphore, #tpu.memory_space<semaphore_mem>>)
      %dma_start3A_469 = arith.constant 8 : i32
      %dma_start3A_470 = arith.constant 8 : i32
      %dma_start3A_471 = arith.constant 64 : i32
      %dma_start3A_472 = tpu.memref_slice %arg11[%dma_start3A_470, %dma_start3A_471] : memref<24x128xf32, #tpu.memory_space<vmem>> -> memref<1x64xf32, #tpu.memory_space<vmem>>
      %dma_start3A_473 = tpu.memref_squeeze %dma_start3A_472 : memref<1x64xf32, #tpu.memory_space<vmem>> -> memref<64xf32, #tpu.memory_space<vmem>>
      %dma_start3A_474 = arith.constant 0 : i32
      %dma_start3A_475 = tpu.memref_slice %arg3[%dma_start3A_469, %dma_start3A_474] : memref<24x64xf32, #tpu.memory_space<hbm>> -> memref<1x64xf32, #tpu.memory_space<hbm>>
      %dma_start3A_476 = tpu.memref_squeeze %dma_start3A_475 : memref<1x64xf32, #tpu.memory_space<hbm>> -> memref<64xf32, #tpu.memory_space<hbm>>
      %dma_start3A_477 = arith.constant 64 : i32
      %dma_start3A_478 = tpu.memref_slice %arg11[%dma_start3A_470, %dma_start3A_477] : memref<24x128xf32, #tpu.memory_space<vmem>> -> memref<1x64xf32, #tpu.memory_space<vmem>>
      %dma_start3A_479 = tpu.memref_squeeze %dma_start3A_478 : memref<1x64xf32, #tpu.memory_space<vmem>> -> memref<64xf32, #tpu.memory_space<vmem>>
      %dma_start3A_480 = arith.constant 0 : i32
      %dma_start3A_481 = tpu.memref_slice %arg3[%dma_start3A_469, %dma_start3A_480] : memref<24x64xf32, #tpu.memory_space<hbm>> -> memref<1x64xf32, #tpu.memory_space<hbm>>
      %dma_start3A_482 = tpu.memref_squeeze %dma_start3A_481 : memref<1x64xf32, #tpu.memory_space<hbm>> -> memref<64xf32, #tpu.memory_space<hbm>>
      tpu.enqueue_dma source(%dma_start3A_482 : memref<64xf32, #tpu.memory_space<hbm>>) target(%dma_start3A_479 : memref<64xf32, #tpu.memory_space<vmem>>) target_semaphore(%arg14 : memref<!tpu.dma_semaphore, #tpu.memory_space<semaphore_mem>>)
      %dma_start3A_483 = arith.constant 9 : i32
      %dma_start3A_484 = arith.constant 9 : i32
      %dma_start3A_485 = arith.constant 64 : i32
      %dma_start3A_486 = tpu.memref_slice %arg11[%dma_start3A_484, %dma_start3A_485] : memref<24x128xf32, #tpu.memory_space<vmem>> -> memref<1x64xf32, #tpu.memory_space<vmem>>
      %dma_start3A_487 = tpu.memref_squeeze %dma_start3A_486 : memref<1x64xf32, #tpu.memory_space<vmem>> -> memref<64xf32, #tpu.memory_space<vmem>>
      %dma_start3A_488 = arith.constant 0 : i32
      %dma_start3A_489 = tpu.memref_slice %arg3[%dma_start3A_483, %dma_start3A_488] : memref<24x64xf32, #tpu.memory_space<hbm>> -> memref<1x64xf32, #tpu.memory_space<hbm>>
      %dma_start3A_490 = tpu.memref_squeeze %dma_start3A_489 : memref<1x64xf32, #tpu.memory_space<hbm>> -> memref<64xf32, #tpu.memory_space<hbm>>
      %dma_start3A_491 = arith.constant 64 : i32
      %dma_start3A_492 = tpu.memref_slice %arg11[%dma_start3A_484, %dma_start3A_491] : memref<24x128xf32, #tpu.memory_space<vmem>> -> memref<1x64xf32, #tpu.memory_space<vmem>>
      %dma_start3A_493 = tpu.memref_squeeze %dma_start3A_492 : memref<1x64xf32, #tpu.memory_space<vmem>> -> memref<64xf32, #tpu.memory_space<vmem>>
      %dma_start3A_494 = arith.constant 0 : i32
      %dma_start3A_495 = tpu.memref_slice %arg3[%dma_start3A_483, %dma_start3A_494] : memref<24x64xf32, #tpu.memory_space<hbm>> -> memref<1x64xf32, #tpu.memory_space<hbm>>
      %dma_start3A_496 = tpu.memref_squeeze %dma_start3A_495 : memref<1x64xf32, #tpu.memory_space<hbm>> -> memref<64xf32, #tpu.memory_space<hbm>>
      tpu.enqueue_dma source(%dma_start3A_496 : memref<64xf32, #tpu.memory_space<hbm>>) target(%dma_start3A_493 : memref<64xf32, #tpu.memory_space<vmem>>) target_semaphore(%arg14 : memref<!tpu.dma_semaphore, #tpu.memory_space<semaphore_mem>>)
      %dma_start3A_497 = arith.constant 10 : i32
      %dma_start3A_498 = arith.constant 10 : i32
      %dma_start3A_499 = arith.constant 64 : i32
      %dma_start3A_500 = tpu.memref_slice %arg11[%dma_start3A_498, %dma_start3A_499] : memref<24x128xf32, #tpu.memory_space<vmem>> -> memref<1x64xf32, #tpu.memory_space<vmem>>
      %dma_start3A_501 = tpu.memref_squeeze %dma_start3A_500 : memref<1x64xf32, #tpu.memory_space<vmem>> -> memref<64xf32, #tpu.memory_space<vmem>>
      %dma_start3A_502 = arith.constant 0 : i32
      %dma_start3A_503 = tpu.memref_slice %arg3[%dma_start3A_497, %dma_start3A_502] : memref<24x64xf32, #tpu.memory_space<hbm>> -> memref<1x64xf32, #tpu.memory_space<hbm>>
      %dma_start3A_504 = tpu.memref_squeeze %dma_start3A_503 : memref<1x64xf32, #tpu.memory_space<hbm>> -> memref<64xf32, #tpu.memory_space<hbm>>
      %dma_start3A_505 = arith.constant 64 : i32
      %dma_start3A_506 = tpu.memref_slice %arg11[%dma_start3A_498, %dma_start3A_505] : memref<24x128xf32, #tpu.memory_space<vmem>> -> memref<1x64xf32, #tpu.memory_space<vmem>>
      %dma_start3A_507 = tpu.memref_squeeze %dma_start3A_506 : memref<1x64xf32, #tpu.memory_space<vmem>> -> memref<64xf32, #tpu.memory_space<vmem>>
      %dma_start3A_508 = arith.constant 0 : i32
      %dma_start3A_509 = tpu.memref_slice %arg3[%dma_start3A_497, %dma_start3A_508] : memref<24x64xf32, #tpu.memory_space<hbm>> -> memref<1x64xf32, #tpu.memory_space<hbm>>
      %dma_start3A_510 = tpu.memref_squeeze %dma_start3A_509 : memref<1x64xf32, #tpu.memory_space<hbm>> -> memref<64xf32, #tpu.memory_space<hbm>>
      tpu.enqueue_dma source(%dma_start3A_510 : memref<64xf32, #tpu.memory_space<hbm>>) target(%dma_start3A_507 : memref<64xf32, #tpu.memory_space<vmem>>) target_semaphore(%arg14 : memref<!tpu.dma_semaphore, #tpu.memory_space<semaphore_mem>>)
      %dma_start3A_511 = arith.constant 11 : i32
      %dma_start3A_512 = arith.constant 11 : i32
      %dma_start3A_513 = arith.constant 64 : i32
      %dma_start3A_514 = tpu.memref_slice %arg11[%dma_start3A_512, %dma_start3A_513] : memref<24x128xf32, #tpu.memory_space<vmem>> -> memref<1x64xf32, #tpu.memory_space<vmem>>
      %dma_start3A_515 = tpu.memref_squeeze %dma_start3A_514 : memref<1x64xf32, #tpu.memory_space<vmem>> -> memref<64xf32, #tpu.memory_space<vmem>>
      %dma_start3A_516 = arith.constant 0 : i32
      %dma_start3A_517 = tpu.memref_slice %arg3[%dma_start3A_511, %dma_start3A_516] : memref<24x64xf32, #tpu.memory_space<hbm>> -> memref<1x64xf32, #tpu.memory_space<hbm>>
      %dma_start3A_518 = tpu.memref_squeeze %dma_start3A_517 : memref<1x64xf32, #tpu.memory_space<hbm>> -> memref<64xf32, #tpu.memory_space<hbm>>
      %dma_start3A_519 = arith.constant 64 : i32
      %dma_start3A_520 = tpu.memref_slice %arg11[%dma_start3A_512, %dma_start3A_519] : memref<24x128xf32, #tpu.memory_space<vmem>> -> memref<1x64xf32, #tpu.memory_space<vmem>>
      %dma_start3A_521 = tpu.memref_squeeze %dma_start3A_520 : memref<1x64xf32, #tpu.memory_space<vmem>> -> memref<64xf32, #tpu.memory_space<vmem>>
      %dma_start3A_522 = arith.constant 0 : i32
      %dma_start3A_523 = tpu.memref_slice %arg3[%dma_start3A_511, %dma_start3A_522] : memref<24x64xf32, #tpu.memory_space<hbm>> -> memref<1x64xf32, #tpu.memory_space<hbm>>
      %dma_start3A_524 = tpu.memref_squeeze %dma_start3A_523 : memref<1x64xf32, #tpu.memory_space<hbm>> -> memref<64xf32, #tpu.memory_space<hbm>>
      tpu.enqueue_dma source(%dma_start3A_524 : memref<64xf32, #tpu.memory_space<hbm>>) target(%dma_start3A_521 : memref<64xf32, #tpu.memory_space<vmem>>) target_semaphore(%arg14 : memref<!tpu.dma_semaphore, #tpu.memory_space<semaphore_mem>>)
      %dma_start3A_525 = arith.constant 12 : i32
      %dma_start3A_526 = arith.constant 12 : i32
      %dma_start3A_527 = arith.constant 64 : i32
      %dma_start3A_528 = tpu.memref_slice %arg11[%dma_start3A_526, %dma_start3A_527] : memref<24x128xf32, #tpu.memory_space<vmem>> -> memref<1x64xf32, #tpu.memory_space<vmem>>
      %dma_start3A_529 = tpu.memref_squeeze %dma_start3A_528 : memref<1x64xf32, #tpu.memory_space<vmem>> -> memref<64xf32, #tpu.memory_space<vmem>>
      %dma_start3A_530 = arith.constant 0 : i32
      %dma_start3A_531 = tpu.memref_slice %arg3[%dma_start3A_525, %dma_start3A_530] : memref<24x64xf32, #tpu.memory_space<hbm>> -> memref<1x64xf32, #tpu.memory_space<hbm>>
      %dma_start3A_532 = tpu.memref_squeeze %dma_start3A_531 : memref<1x64xf32, #tpu.memory_space<hbm>> -> memref<64xf32, #tpu.memory_space<hbm>>
      %dma_start3A_533 = arith.constant 64 : i32
      %dma_start3A_534 = tpu.memref_slice %arg11[%dma_start3A_526, %dma_start3A_533] : memref<24x128xf32, #tpu.memory_space<vmem>> -> memref<1x64xf32, #tpu.memory_space<vmem>>
      %dma_start3A_535 = tpu.memref_squeeze %dma_start3A_534 : memref<1x64xf32, #tpu.memory_space<vmem>> -> memref<64xf32, #tpu.memory_space<vmem>>
      %dma_start3A_536 = arith.constant 0 : i32
      %dma_start3A_537 = tpu.memref_slice %arg3[%dma_start3A_525, %dma_start3A_536] : memref<24x64xf32, #tpu.memory_space<hbm>> -> memref<1x64xf32, #tpu.memory_space<hbm>>
      %dma_start3A_538 = tpu.memref_squeeze %dma_start3A_537 : memref<1x64xf32, #tpu.memory_space<hbm>> -> memref<64xf32, #tpu.memory_space<hbm>>
      tpu.enqueue_dma source(%dma_start3A_538 : memref<64xf32, #tpu.memory_space<hbm>>) target(%dma_start3A_535 : memref<64xf32, #tpu.memory_space<vmem>>) target_semaphore(%arg14 : memref<!tpu.dma_semaphore, #tpu.memory_space<semaphore_mem>>)
      %dma_start3A_539 = arith.constant 13 : i32
      %dma_start3A_540 = arith.constant 13 : i32
      %dma_start3A_541 = arith.constant 64 : i32
      %dma_start3A_542 = tpu.memref_slice %arg11[%dma_start3A_540, %dma_start3A_541] : memref<24x128xf32, #tpu.memory_space<vmem>> -> memref<1x64xf32, #tpu.memory_space<vmem>>
      %dma_start3A_543 = tpu.memref_squeeze %dma_start3A_542 : memref<1x64xf32, #tpu.memory_space<vmem>> -> memref<64xf32, #tpu.memory_space<vmem>>
      %dma_start3A_544 = arith.constant 0 : i32
      %dma_start3A_545 = tpu.memref_slice %arg3[%dma_start3A_539, %dma_start3A_544] : memref<24x64xf32, #tpu.memory_space<hbm>> -> memref<1x64xf32, #tpu.memory_space<hbm>>
      %dma_start3A_546 = tpu.memref_squeeze %dma_start3A_545 : memref<1x64xf32, #tpu.memory_space<hbm>> -> memref<64xf32, #tpu.memory_space<hbm>>
      %dma_start3A_547 = arith.constant 64 : i32
      %dma_start3A_548 = tpu.memref_slice %arg11[%dma_start3A_540, %dma_start3A_547] : memref<24x128xf32, #tpu.memory_space<vmem>> -> memref<1x64xf32, #tpu.memory_space<vmem>>
      %dma_start3A_549 = tpu.memref_squeeze %dma_start3A_548 : memref<1x64xf32, #tpu.memory_space<vmem>> -> memref<64xf32, #tpu.memory_space<vmem>>
      %dma_start3A_550 = arith.constant 0 : i32
      %dma_start3A_551 = tpu.memref_slice %arg3[%dma_start3A_539, %dma_start3A_550] : memref<24x64xf32, #tpu.memory_space<hbm>> -> memref<1x64xf32, #tpu.memory_space<hbm>>
      %dma_start3A_552 = tpu.memref_squeeze %dma_start3A_551 : memref<1x64xf32, #tpu.memory_space<hbm>> -> memref<64xf32, #tpu.memory_space<hbm>>
      tpu.enqueue_dma source(%dma_start3A_552 : memref<64xf32, #tpu.memory_space<hbm>>) target(%dma_start3A_549 : memref<64xf32, #tpu.memory_space<vmem>>) target_semaphore(%arg14 : memref<!tpu.dma_semaphore, #tpu.memory_space<semaphore_mem>>)
      %dma_start3A_553 = arith.constant 14 : i32
      %dma_start3A_554 = arith.constant 14 : i32
      %dma_start3A_555 = arith.constant 64 : i32
      %dma_start3A_556 = tpu.memref_slice %arg11[%dma_start3A_554, %dma_start3A_555] : memref<24x128xf32, #tpu.memory_space<vmem>> -> memref<1x64xf32, #tpu.memory_space<vmem>>
      %dma_start3A_557 = tpu.memref_squeeze %dma_start3A_556 : memref<1x64xf32, #tpu.memory_space<vmem>> -> memref<64xf32, #tpu.memory_space<vmem>>
      %dma_start3A_558 = arith.constant 0 : i32
      %dma_start3A_559 = tpu.memref_slice %arg3[%dma_start3A_553, %dma_start3A_558] : memref<24x64xf32, #tpu.memory_space<hbm>> -> memref<1x64xf32, #tpu.memory_space<hbm>>
      %dma_start3A_560 = tpu.memref_squeeze %dma_start3A_559 : memref<1x64xf32, #tpu.memory_space<hbm>> -> memref<64xf32, #tpu.memory_space<hbm>>
      %dma_start3A_561 = arith.constant 64 : i32
      %dma_start3A_562 = tpu.memref_slice %arg11[%dma_start3A_554, %dma_start3A_561] : memref<24x128xf32, #tpu.memory_space<vmem>> -> memref<1x64xf32, #tpu.memory_space<vmem>>
      %dma_start3A_563 = tpu.memref_squeeze %dma_start3A_562 : memref<1x64xf32, #tpu.memory_space<vmem>> -> memref<64xf32, #tpu.memory_space<vmem>>
      %dma_start3A_564 = arith.constant 0 : i32
      %dma_start3A_565 = tpu.memref_slice %arg3[%dma_start3A_553, %dma_start3A_564] : memref<24x64xf32, #tpu.memory_space<hbm>> -> memref<1x64xf32, #tpu.memory_space<hbm>>
      %dma_start3A_566 = tpu.memref_squeeze %dma_start3A_565 : memref<1x64xf32, #tpu.memory_space<hbm>> -> memref<64xf32, #tpu.memory_space<hbm>>
      tpu.enqueue_dma source(%dma_start3A_566 : memref<64xf32, #tpu.memory_space<hbm>>) target(%dma_start3A_563 : memref<64xf32, #tpu.memory_space<vmem>>) target_semaphore(%arg14 : memref<!tpu.dma_semaphore, #tpu.memory_space<semaphore_mem>>)
      %dma_start3A_567 = arith.constant 15 : i32
      %dma_start3A_568 = arith.constant 15 : i32
      %dma_start3A_569 = arith.constant 64 : i32
      %dma_start3A_570 = tpu.memref_slice %arg11[%dma_start3A_568, %dma_start3A_569] : memref<24x128xf32, #tpu.memory_space<vmem>> -> memref<1x64xf32, #tpu.memory_space<vmem>>
      %dma_start3A_571 = tpu.memref_squeeze %dma_start3A_570 : memref<1x64xf32, #tpu.memory_space<vmem>> -> memref<64xf32, #tpu.memory_space<vmem>>
      %dma_start3A_572 = arith.constant 0 : i32
      %dma_start3A_573 = tpu.memref_slice %arg3[%dma_start3A_567, %dma_start3A_572] : memref<24x64xf32, #tpu.memory_space<hbm>> -> memref<1x64xf32, #tpu.memory_space<hbm>>
      %dma_start3A_574 = tpu.memref_squeeze %dma_start3A_573 : memref<1x64xf32, #tpu.memory_space<hbm>> -> memref<64xf32, #tpu.memory_space<hbm>>
      %dma_start3A_575 = arith.constant 64 : i32
      %dma_start3A_576 = tpu.memref_slice %arg11[%dma_start3A_568, %dma_start3A_575] : memref<24x128xf32, #tpu.memory_space<vmem>> -> memref<1x64xf32, #tpu.memory_space<vmem>>
      %dma_start3A_577 = tpu.memref_squeeze %dma_start3A_576 : memref<1x64xf32, #tpu.memory_space<vmem>> -> memref<64xf32, #tpu.memory_space<vmem>>
      %dma_start3A_578 = arith.constant 0 : i32
      %dma_start3A_579 = tpu.memref_slice %arg3[%dma_start3A_567, %dma_start3A_578] : memref<24x64xf32, #tpu.memory_space<hbm>> -> memref<1x64xf32, #tpu.memory_space<hbm>>
      %dma_start3A_580 = tpu.memref_squeeze %dma_start3A_579 : memref<1x64xf32, #tpu.memory_space<hbm>> -> memref<64xf32, #tpu.memory_space<hbm>>
      tpu.enqueue_dma source(%dma_start3A_580 : memref<64xf32, #tpu.memory_space<hbm>>) target(%dma_start3A_577 : memref<64xf32, #tpu.memory_space<vmem>>) target_semaphore(%arg14 : memref<!tpu.dma_semaphore, #tpu.memory_space<semaphore_mem>>)
      %dma_start3A_581 = arith.constant 16 : i32
      %dma_start3A_582 = arith.constant 16 : i32
      %dma_start3A_583 = arith.constant 64 : i32
      %dma_start3A_584 = tpu.memref_slice %arg11[%dma_start3A_582, %dma_start3A_583] : memref<24x128xf32, #tpu.memory_space<vmem>> -> memref<1x64xf32, #tpu.memory_space<vmem>>
      %dma_start3A_585 = tpu.memref_squeeze %dma_start3A_584 : memref<1x64xf32, #tpu.memory_space<vmem>> -> memref<64xf32, #tpu.memory_space<vmem>>
      %dma_start3A_586 = arith.constant 0 : i32
      %dma_start3A_587 = tpu.memref_slice %arg3[%dma_start3A_581, %dma_start3A_586] : memref<24x64xf32, #tpu.memory_space<hbm>> -> memref<1x64xf32, #tpu.memory_space<hbm>>
      %dma_start3A_588 = tpu.memref_squeeze %dma_start3A_587 : memref<1x64xf32, #tpu.memory_space<hbm>> -> memref<64xf32, #tpu.memory_space<hbm>>
      %dma_start3A_589 = arith.constant 64 : i32
      %dma_start3A_590 = tpu.memref_slice %arg11[%dma_start3A_582, %dma_start3A_589] : memref<24x128xf32, #tpu.memory_space<vmem>> -> memref<1x64xf32, #tpu.memory_space<vmem>>
      %dma_start3A_591 = tpu.memref_squeeze %dma_start3A_590 : memref<1x64xf32, #tpu.memory_space<vmem>> -> memref<64xf32, #tpu.memory_space<vmem>>
      %dma_start3A_592 = arith.constant 0 : i32
      %dma_start3A_593 = tpu.memref_slice %arg3[%dma_start3A_581, %dma_start3A_592] : memref<24x64xf32, #tpu.memory_space<hbm>> -> memref<1x64xf32, #tpu.memory_space<hbm>>
      %dma_start3A_594 = tpu.memref_squeeze %dma_start3A_593 : memref<1x64xf32, #tpu.memory_space<hbm>> -> memref<64xf32, #tpu.memory_space<hbm>>
      tpu.enqueue_dma source(%dma_start3A_594 : memref<64xf32, #tpu.memory_space<hbm>>) target(%dma_start3A_591 : memref<64xf32, #tpu.memory_space<vmem>>) target_semaphore(%arg14 : memref<!tpu.dma_semaphore, #tpu.memory_space<semaphore_mem>>)
      %dma_start3A_595 = arith.constant 17 : i32
      %dma_start3A_596 = arith.constant 17 : i32
      %dma_start3A_597 = arith.constant 64 : i32
      %dma_start3A_598 = tpu.memref_slice %arg11[%dma_start3A_596, %dma_start3A_597] : memref<24x128xf32, #tpu.memory_space<vmem>> -> memref<1x64xf32, #tpu.memory_space<vmem>>
      %dma_start3A_599 = tpu.memref_squeeze %dma_start3A_598 : memref<1x64xf32, #tpu.memory_space<vmem>> -> memref<64xf32, #tpu.memory_space<vmem>>
      %dma_start3A_600 = arith.constant 0 : i32
      %dma_start3A_601 = tpu.memref_slice %arg3[%dma_start3A_595, %dma_start3A_600] : memref<24x64xf32, #tpu.memory_space<hbm>> -> memref<1x64xf32, #tpu.memory_space<hbm>>
      %dma_start3A_602 = tpu.memref_squeeze %dma_start3A_601 : memref<1x64xf32, #tpu.memory_space<hbm>> -> memref<64xf32, #tpu.memory_space<hbm>>
      %dma_start3A_603 = arith.constant 64 : i32
      %dma_start3A_604 = tpu.memref_slice %arg11[%dma_start3A_596, %dma_start3A_603] : memref<24x128xf32, #tpu.memory_space<vmem>> -> memref<1x64xf32, #tpu.memory_space<vmem>>
      %dma_start3A_605 = tpu.memref_squeeze %dma_start3A_604 : memref<1x64xf32, #tpu.memory_space<vmem>> -> memref<64xf32, #tpu.memory_space<vmem>>
      %dma_start3A_606 = arith.constant 0 : i32
      %dma_start3A_607 = tpu.memref_slice %arg3[%dma_start3A_595, %dma_start3A_606] : memref<24x64xf32, #tpu.memory_space<hbm>> -> memref<1x64xf32, #tpu.memory_space<hbm>>
      %dma_start3A_608 = tpu.memref_squeeze %dma_start3A_607 : memref<1x64xf32, #tpu.memory_space<hbm>> -> memref<64xf32, #tpu.memory_space<hbm>>
      tpu.enqueue_dma source(%dma_start3A_608 : memref<64xf32, #tpu.memory_space<hbm>>) target(%dma_start3A_605 : memref<64xf32, #tpu.memory_space<vmem>>) target_semaphore(%arg14 : memref<!tpu.dma_semaphore, #tpu.memory_space<semaphore_mem>>)
      %dma_start3A_609 = arith.constant 18 : i32
      %dma_start3A_610 = arith.constant 18 : i32
      %dma_start3A_611 = arith.constant 64 : i32
      %dma_start3A_612 = tpu.memref_slice %arg11[%dma_start3A_610, %dma_start3A_611] : memref<24x128xf32, #tpu.memory_space<vmem>> -> memref<1x64xf32, #tpu.memory_space<vmem>>
      %dma_start3A_613 = tpu.memref_squeeze %dma_start3A_612 : memref<1x64xf32, #tpu.memory_space<vmem>> -> memref<64xf32, #tpu.memory_space<vmem>>
      %dma_start3A_614 = arith.constant 0 : i32
      %dma_start3A_615 = tpu.memref_slice %arg3[%dma_start3A_609, %dma_start3A_614] : memref<24x64xf32, #tpu.memory_space<hbm>> -> memref<1x64xf32, #tpu.memory_space<hbm>>
      %dma_start3A_616 = tpu.memref_squeeze %dma_start3A_615 : memref<1x64xf32, #tpu.memory_space<hbm>> -> memref<64xf32, #tpu.memory_space<hbm>>
      %dma_start3A_617 = arith.constant 64 : i32
      %dma_start3A_618 = tpu.memref_slice %arg11[%dma_start3A_610, %dma_start3A_617] : memref<24x128xf32, #tpu.memory_space<vmem>> -> memref<1x64xf32, #tpu.memory_space<vmem>>
      %dma_start3A_619 = tpu.memref_squeeze %dma_start3A_618 : memref<1x64xf32, #tpu.memory_space<vmem>> -> memref<64xf32, #tpu.memory_space<vmem>>
      %dma_start3A_620 = arith.constant 0 : i32
      %dma_start3A_621 = tpu.memref_slice %arg3[%dma_start3A_609, %dma_start3A_620] : memref<24x64xf32, #tpu.memory_space<hbm>> -> memref<1x64xf32, #tpu.memory_space<hbm>>
      %dma_start3A_622 = tpu.memref_squeeze %dma_start3A_621 : memref<1x64xf32, #tpu.memory_space<hbm>> -> memref<64xf32, #tpu.memory_space<hbm>>
      tpu.enqueue_dma source(%dma_start3A_622 : memref<64xf32, #tpu.memory_space<hbm>>) target(%dma_start3A_619 : memref<64xf32, #tpu.memory_space<vmem>>) target_semaphore(%arg14 : memref<!tpu.dma_semaphore, #tpu.memory_space<semaphore_mem>>)
      %dma_start3A_623 = arith.constant 19 : i32
      %dma_start3A_624 = arith.constant 19 : i32
      %dma_start3A_625 = arith.constant 64 : i32
      %dma_start3A_626 = tpu.memref_slice %arg11[%dma_start3A_624, %dma_start3A_625] : memref<24x128xf32, #tpu.memory_space<vmem>> -> memref<1x64xf32, #tpu.memory_space<vmem>>
      %dma_start3A_627 = tpu.memref_squeeze %dma_start3A_626 : memref<1x64xf32, #tpu.memory_space<vmem>> -> memref<64xf32, #tpu.memory_space<vmem>>
      %dma_start3A_628 = arith.constant 0 : i32
      %dma_start3A_629 = tpu.memref_slice %arg3[%dma_start3A_623, %dma_start3A_628] : memref<24x64xf32, #tpu.memory_space<hbm>> -> memref<1x64xf32, #tpu.memory_space<hbm>>
      %dma_start3A_630 = tpu.memref_squeeze %dma_start3A_629 : memref<1x64xf32, #tpu.memory_space<hbm>> -> memref<64xf32, #tpu.memory_space<hbm>>
      %dma_start3A_631 = arith.constant 64 : i32
      %dma_start3A_632 = tpu.memref_slice %arg11[%dma_start3A_624, %dma_start3A_631] : memref<24x128xf32, #tpu.memory_space<vmem>> -> memref<1x64xf32, #tpu.memory_space<vmem>>
      %dma_start3A_633 = tpu.memref_squeeze %dma_start3A_632 : memref<1x64xf32, #tpu.memory_space<vmem>> -> memref<64xf32, #tpu.memory_space<vmem>>
      %dma_start3A_634 = arith.constant 0 : i32
      %dma_start3A_635 = tpu.memref_slice %arg3[%dma_start3A_623, %dma_start3A_634] : memref<24x64xf32, #tpu.memory_space<hbm>> -> memref<1x64xf32, #tpu.memory_space<hbm>>
      %dma_start3A_636 = tpu.memref_squeeze %dma_start3A_635 : memref<1x64xf32, #tpu.memory_space<hbm>> -> memref<64xf32, #tpu.memory_space<hbm>>
      tpu.enqueue_dma source(%dma_start3A_636 : memref<64xf32, #tpu.memory_space<hbm>>) target(%dma_start3A_633 : memref<64xf32, #tpu.memory_space<vmem>>) target_semaphore(%arg14 : memref<!tpu.dma_semaphore, #tpu.memory_space<semaphore_mem>>)
      %dma_start3A_637 = arith.constant 20 : i32
      %dma_start3A_638 = arith.constant 20 : i32
      %dma_start3A_639 = arith.constant 64 : i32
      %dma_start3A_640 = tpu.memref_slice %arg11[%dma_start3A_638, %dma_start3A_639] : memref<24x128xf32, #tpu.memory_space<vmem>> -> memref<1x64xf32, #tpu.memory_space<vmem>>
      %dma_start3A_641 = tpu.memref_squeeze %dma_start3A_640 : memref<1x64xf32, #tpu.memory_space<vmem>> -> memref<64xf32, #tpu.memory_space<vmem>>
      %dma_start3A_642 = arith.constant 0 : i32
      %dma_start3A_643 = tpu.memref_slice %arg3[%dma_start3A_637, %dma_start3A_642] : memref<24x64xf32, #tpu.memory_space<hbm>> -> memref<1x64xf32, #tpu.memory_space<hbm>>
      %dma_start3A_644 = tpu.memref_squeeze %dma_start3A_643 : memref<1x64xf32, #tpu.memory_space<hbm>> -> memref<64xf32, #tpu.memory_space<hbm>>
      %dma_start3A_645 = arith.constant 64 : i32
      %dma_start3A_646 = tpu.memref_slice %arg11[%dma_start3A_638, %dma_start3A_645] : memref<24x128xf32, #tpu.memory_space<vmem>> -> memref<1x64xf32, #tpu.memory_space<vmem>>
      %dma_start3A_647 = tpu.memref_squeeze %dma_start3A_646 : memref<1x64xf32, #tpu.memory_space<vmem>> -> memref<64xf32, #tpu.memory_space<vmem>>
      %dma_start3A_648 = arith.constant 0 : i32
      %dma_start3A_649 = tpu.memref_slice %arg3[%dma_start3A_637, %dma_start3A_648] : memref<24x64xf32, #tpu.memory_space<hbm>> -> memref<1x64xf32, #tpu.memory_space<hbm>>
      %dma_start3A_650 = tpu.memref_squeeze %dma_start3A_649 : memref<1x64xf32, #tpu.memory_space<hbm>> -> memref<64xf32, #tpu.memory_space<hbm>>
      tpu.enqueue_dma source(%dma_start3A_650 : memref<64xf32, #tpu.memory_space<hbm>>) target(%dma_start3A_647 : memref<64xf32, #tpu.memory_space<vmem>>) target_semaphore(%arg14 : memref<!tpu.dma_semaphore, #tpu.memory_space<semaphore_mem>>)
      %dma_start3A_651 = arith.constant 21 : i32
      %dma_start3A_652 = arith.constant 21 : i32
      %dma_start3A_653 = arith.constant 64 : i32
      %dma_start3A_654 = tpu.memref_slice %arg11[%dma_start3A_652, %dma_start3A_653] : memref<24x128xf32, #tpu.memory_space<vmem>> -> memref<1x64xf32, #tpu.memory_space<vmem>>
      %dma_start3A_655 = tpu.memref_squeeze %dma_start3A_654 : memref<1x64xf32, #tpu.memory_space<vmem>> -> memref<64xf32, #tpu.memory_space<vmem>>
      %dma_start3A_656 = arith.constant 0 : i32
      %dma_start3A_657 = tpu.memref_slice %arg3[%dma_start3A_651, %dma_start3A_656] : memref<24x64xf32, #tpu.memory_space<hbm>> -> memref<1x64xf32, #tpu.memory_space<hbm>>
      %dma_start3A_658 = tpu.memref_squeeze %dma_start3A_657 : memref<1x64xf32, #tpu.memory_space<hbm>> -> memref<64xf32, #tpu.memory_space<hbm>>
      %dma_start3A_659 = arith.constant 64 : i32
      %dma_start3A_660 = tpu.memref_slice %arg11[%dma_start3A_652, %dma_start3A_659] : memref<24x128xf32, #tpu.memory_space<vmem>> -> memref<1x64xf32, #tpu.memory_space<vmem>>
      %dma_start3A_661 = tpu.memref_squeeze %dma_start3A_660 : memref<1x64xf32, #tpu.memory_space<vmem>> -> memref<64xf32, #tpu.memory_space<vmem>>
      %dma_start3A_662 = arith.constant 0 : i32
      %dma_start3A_663 = tpu.memref_slice %arg3[%dma_start3A_651, %dma_start3A_662] : memref<24x64xf32, #tpu.memory_space<hbm>> -> memref<1x64xf32, #tpu.memory_space<hbm>>
      %dma_start3A_664 = tpu.memref_squeeze %dma_start3A_663 : memref<1x64xf32, #tpu.memory_space<hbm>> -> memref<64xf32, #tpu.memory_space<hbm>>
      tpu.enqueue_dma source(%dma_start3A_664 : memref<64xf32, #tpu.memory_space<hbm>>) target(%dma_start3A_661 : memref<64xf32, #tpu.memory_space<vmem>>) target_semaphore(%arg14 : memref<!tpu.dma_semaphore, #tpu.memory_space<semaphore_mem>>)
      %dma_start3A_665 = arith.constant 22 : i32
      %dma_start3A_666 = arith.constant 22 : i32
      %dma_start3A_667 = arith.constant 64 : i32
      %dma_start3A_668 = tpu.memref_slice %arg11[%dma_start3A_666, %dma_start3A_667] : memref<24x128xf32, #tpu.memory_space<vmem>> -> memref<1x64xf32, #tpu.memory_space<vmem>>
      %dma_start3A_669 = tpu.memref_squeeze %dma_start3A_668 : memref<1x64xf32, #tpu.memory_space<vmem>> -> memref<64xf32, #tpu.memory_space<vmem>>
      %dma_start3A_670 = arith.constant 0 : i32
      %dma_start3A_671 = tpu.memref_slice %arg3[%dma_start3A_665, %dma_start3A_670] : memref<24x64xf32, #tpu.memory_space<hbm>> -> memref<1x64xf32, #tpu.memory_space<hbm>>
      %dma_start3A_672 = tpu.memref_squeeze %dma_start3A_671 : memref<1x64xf32, #tpu.memory_space<hbm>> -> memref<64xf32, #tpu.memory_space<hbm>>
      %dma_start3A_673 = arith.constant 64 : i32
      %dma_start3A_674 = tpu.memref_slice %arg11[%dma_start3A_666, %dma_start3A_673] : memref<24x128xf32, #tpu.memory_space<vmem>> -> memref<1x64xf32, #tpu.memory_space<vmem>>
      %dma_start3A_675 = tpu.memref_squeeze %dma_start3A_674 : memref<1x64xf32, #tpu.memory_space<vmem>> -> memref<64xf32, #tpu.memory_space<vmem>>
      %dma_start3A_676 = arith.constant 0 : i32
      %dma_start3A_677 = tpu.memref_slice %arg3[%dma_start3A_665, %dma_start3A_676] : memref<24x64xf32, #tpu.memory_space<hbm>> -> memref<1x64xf32, #tpu.memory_space<hbm>>
      %dma_start3A_678 = tpu.memref_squeeze %dma_start3A_677 : memref<1x64xf32, #tpu.memory_space<hbm>> -> memref<64xf32, #tpu.memory_space<hbm>>
      tpu.enqueue_dma source(%dma_start3A_678 : memref<64xf32, #tpu.memory_space<hbm>>) target(%dma_start3A_675 : memref<64xf32, #tpu.memory_space<vmem>>) target_semaphore(%arg14 : memref<!tpu.dma_semaphore, #tpu.memory_space<semaphore_mem>>)
      %dma_start3A_679 = arith.constant 23 : i32
      %dma_start3A_680 = arith.constant 23 : i32
      %dma_start3A_681 = arith.constant 64 : i32
      %dma_start3A_682 = tpu.memref_slice %arg11[%dma_start3A_680, %dma_start3A_681] : memref<24x128xf32, #tpu.memory_space<vmem>> -> memref<1x64xf32, #tpu.memory_space<vmem>>
      %dma_start3A_683 = tpu.memref_squeeze %dma_start3A_682 : memref<1x64xf32, #tpu.memory_space<vmem>> -> memref<64xf32, #tpu.memory_space<vmem>>
      %dma_start3A_684 = arith.constant 0 : i32
      %dma_start3A_685 = tpu.memref_slice %arg3[%dma_start3A_679, %dma_start3A_684] : memref<24x64xf32, #tpu.memory_space<hbm>> -> memref<1x64xf32, #tpu.memory_space<hbm>>
      %dma_start3A_686 = tpu.memref_squeeze %dma_start3A_685 : memref<1x64xf32, #tpu.memory_space<hbm>> -> memref<64xf32, #tpu.memory_space<hbm>>
      %dma_start3A_687 = arith.constant 64 : i32
      %dma_start3A_688 = tpu.memref_slice %arg11[%dma_start3A_680, %dma_start3A_687] : memref<24x128xf32, #tpu.memory_space<vmem>> -> memref<1x64xf32, #tpu.memory_space<vmem>>
      %dma_start3A_689 = tpu.memref_squeeze %dma_start3A_688 : memref<1x64xf32, #tpu.memory_space<vmem>> -> memref<64xf32, #tpu.memory_space<vmem>>
      %dma_start3A_690 = arith.constant 0 : i32
      %dma_start3A_691 = tpu.memref_slice %arg3[%dma_start3A_679, %dma_start3A_690] : memref<24x64xf32, #tpu.memory_space<hbm>> -> memref<1x64xf32, #tpu.memory_space<hbm>>
      %dma_start3A_692 = tpu.memref_squeeze %dma_start3A_691 : memref<1x64xf32, #tpu.memory_space<hbm>> -> memref<64xf32, #tpu.memory_space<hbm>>
      tpu.enqueue_dma source(%dma_start3A_692 : memref<64xf32, #tpu.memory_space<hbm>>) target(%dma_start3A_689 : memref<64xf32, #tpu.memory_space<vmem>>) target_semaphore(%arg14 : memref<!tpu.dma_semaphore, #tpu.memory_space<semaphore_mem>>)
      %dma_start3A_693 = arith.constant 0 : i32
      %dma_start3A_694 = arith.constant 0 : i32
      %dma_start3A_695 = tpu.memref_slice %arg11[%dma_start3A_693, %dma_start3A_694] : memref<24x128xf32, #tpu.memory_space<vmem>> -> memref<1x64xf32, #tpu.memory_space<vmem>>
      %dma_start3A_696 = tpu.memref_squeeze %dma_start3A_695 : memref<1x64xf32, #tpu.memory_space<vmem>> -> memref<64xf32, #tpu.memory_space<vmem>>
      %dma_start3A_697 = arith.constant 0 : i32
      %dma_start3A_698 = tpu.memref_slice %arg2[%arg1, %dma_start3A_697] : memref<12x64xf32, #tpu.memory_space<hbm>> -> memref<1x64xf32, #tpu.memory_space<hbm>>
      %dma_start3A_699 = tpu.memref_squeeze %dma_start3A_698 : memref<1x64xf32, #tpu.memory_space<hbm>> -> memref<64xf32, #tpu.memory_space<hbm>>
      %dma_start3A_700 = arith.constant 0 : i32
      %dma_start3A_701 = tpu.memref_slice %arg11[%dma_start3A_693, %dma_start3A_700] : memref<24x128xf32, #tpu.memory_space<vmem>> -> memref<1x64xf32, #tpu.memory_space<vmem>>
      %dma_start3A_702 = tpu.memref_squeeze %dma_start3A_701 : memref<1x64xf32, #tpu.memory_space<vmem>> -> memref<64xf32, #tpu.memory_space<vmem>>
      %dma_start3A_703 = arith.constant 0 : i32
      %dma_start3A_704 = tpu.memref_slice %arg2[%arg1, %dma_start3A_703] : memref<12x64xf32, #tpu.memory_space<hbm>> -> memref<1x64xf32, #tpu.memory_space<hbm>>
      %dma_start3A_705 = tpu.memref_squeeze %dma_start3A_704 : memref<1x64xf32, #tpu.memory_space<hbm>> -> memref<64xf32, #tpu.memory_space<hbm>>
      tpu.enqueue_dma source(%dma_start3A_705 : memref<64xf32, #tpu.memory_space<hbm>>) target(%dma_start3A_702 : memref<64xf32, #tpu.memory_space<vmem>>) target_semaphore(%arg14 : memref<!tpu.dma_semaphore, #tpu.memory_space<semaphore_mem>>)
    } else {
    }
    %dma_wait3A = tpu.memref_slice %arg4[%mul3A_2] : memref<16384xi32, #tpu.memory_space<hbm>> -> memref<512xi32, #tpu.memory_space<hbm>>
    %dma_wait3A_8 = tpu.memref_slice %arg4[%mul3A_2] : memref<16384xi32, #tpu.memory_space<hbm>> -> memref<512xi32, #tpu.memory_space<hbm>>
    tpu.wait_dma2 semaphore(%arg13 : memref<!tpu.dma_semaphore, #tpu.memory_space<semaphore_mem>>) src(%dma_wait3A_8 : memref<512xi32, #tpu.memory_space<hbm>>) dst(%arg7 : memref<512xi32, #tpu.memory_space<vmem>>)
    %dma_wait3A_9 = tpu.memref_slice %arg5[%mul3A_2] : memref<16384xi32, #tpu.memory_space<hbm>> -> memref<512xi32, #tpu.memory_space<hbm>>
    %dma_wait3A_10 = tpu.memref_slice %arg5[%mul3A_2] : memref<16384xi32, #tpu.memory_space<hbm>> -> memref<512xi32, #tpu.memory_space<hbm>>
    tpu.wait_dma2 semaphore(%arg13 : memref<!tpu.dma_semaphore, #tpu.memory_space<semaphore_mem>>) src(%dma_wait3A_10 : memref<512xi32, #tpu.memory_space<hbm>>) dst(%arg8 : memref<512xi32, #tpu.memory_space<vmem>>)
    %scan3A = arith.constant 0 : i32
    %scan3A_11 = arith.constant 0 : i32
    %scan3A_12 = arith.constant 32 : i32
    %scan3A_13 = arith.addi %scan3A_11, %scan3A_12 : i32
    %scan3A_14 = arith.constant 1 : i32
    scf.for %scan3A_357 = %scan3A_11 to %scan3A_13 step %scan3A_14  : i32 {
      %mul3A_358 = arith.constant 16 : i32
      %mul3A_359 = arith.muli %scan3A_357, %mul3A_358 : i32
      %get3A = arith.index_cast %mul3A_359 : i32 to index
      %get3A_360 = tpu.vector_load %arg7[%get3A] {strides = array<i32>} : memref<512xi32, #tpu.memory_space<vmem>>, vector<16xi32>,
      %get3A_361 = vector.shape_cast %get3A_360 : vector<16xi32> to vector<16xi32>
      %mul3A_362 = arith.constant 16 : i32
      %mul3A_363 = arith.muli %scan3A_357, %mul3A_362 : i32
      %get3A_364 = arith.index_cast %mul3A_363 : i32 to index
      %get3A_365 = tpu.vector_load %arg8[%get3A_364] {strides = array<i32>} : memref<512xi32, #tpu.memory_space<vmem>>, vector<16xi32>,
      %get3A_366 = vector.shape_cast %get3A_365 : vector<16xi32> to vector<16xi32>
      %shift_right_logical3A = arith.constant 2 : i32
      %shift_right_logical3A_367 = arith.shrui %scan3A_357, %shift_right_logical3A : i32
      %and3A = arith.constant 3 : i32
      %and3A_368 = arith.andi %scan3A_357, %and3A : i32
      %mul3A_369 = arith.constant 16 : i32
      %mul3A_370 = arith.muli %and3A_368, %mul3A_369 : i32
      %mul3A_371 = arith.constant 24 : i32
      %mul3A_372 = vector.broadcast %mul3A_371 : i32 to vector<16xi32>
      %mul3A_373 = arith.muli %get3A_361, %mul3A_372 : vector<16xi32>
      %add3A_374 = arith.addi %mul3A_373, %get3A_366 : vector<16xi32>
      %swap3A = arith.index_cast %shift_right_logical3A_367 : i32 to index
      %swap3A_375 = arith.index_cast %mul3A_370 : i32 to index
      %swap3A_376 = tpu.vector_load %arg9[%swap3A, %swap3A_375] {strides = array<i32>} : memref<8x64xi32, #tpu.memory_space<vmem>>, vector<1x16xi32>,
      %swap3A_377 = vector.shape_cast %swap3A_376 : vector<1x16xi32> to vector<16xi32>
      %swap3A_378 = vector.shape_cast %add3A_374 : vector<16xi32> to vector<1x16xi32>
      tpu.vector_store %arg9[%swap3A, %swap3A_375], %swap3A_378 {strides = array<i32>} : memref<8x64xi32, #tpu.memory_space<vmem>>, vector<1x16xi32>,
    }
    %scan3A_15 = arith.constant 32 : i32
    %lt3A_16 = arith.constant 12 : i32
    %lt3A_17 = arith.cmpi slt, %arg1, %lt3A_16 : i32
    %convert_element_type3A_18 = arith.extui %lt3A_17 : i1 to i32
    %cond3A_19 = arith.constant 0 : i32
    %cond3A_20 = arith.cmpi ne, %convert_element_type3A_18, %cond3A_19 : i32
    scf.if %cond3A_20 {
      %dma_wait3A_357 = arith.constant 0 : i32
      %dma_wait3A_358 = arith.constant 0 : i32
      %dma_wait3A_359 = arith.constant 64 : i32
      %dma_wait3A_360 = tpu.memref_slice %arg11[%dma_wait3A_358, %dma_wait3A_359] : memref<24x128xf32, #tpu.memory_space<vmem>> -> memref<1x64xf32, #tpu.memory_space<vmem>>
      %dma_wait3A_361 = tpu.memref_squeeze %dma_wait3A_360 : memref<1x64xf32, #tpu.memory_space<vmem>> -> memref<64xf32, #tpu.memory_space<vmem>>
      %dma_wait3A_362 = arith.constant 0 : i32
      %dma_wait3A_363 = tpu.memref_slice %arg3[%dma_wait3A_357, %dma_wait3A_362] : memref<24x64xf32, #tpu.memory_space<hbm>> -> memref<1x64xf32, #tpu.memory_space<hbm>>
      %dma_wait3A_364 = tpu.memref_squeeze %dma_wait3A_363 : memref<1x64xf32, #tpu.memory_space<hbm>> -> memref<64xf32, #tpu.memory_space<hbm>>
      %dma_wait3A_365 = arith.constant 64 : i32
      %dma_wait3A_366 = tpu.memref_slice %arg11[%dma_wait3A_358, %dma_wait3A_365] : memref<24x128xf32, #tpu.memory_space<vmem>> -> memref<1x64xf32, #tpu.memory_space<vmem>>
      %dma_wait3A_367 = tpu.memref_squeeze %dma_wait3A_366 : memref<1x64xf32, #tpu.memory_space<vmem>> -> memref<64xf32, #tpu.memory_space<vmem>>
      %dma_wait3A_368 = arith.constant 0 : i32
      %dma_wait3A_369 = tpu.memref_slice %arg3[%dma_wait3A_357, %dma_wait3A_368] : memref<24x64xf32, #tpu.memory_space<hbm>> -> memref<1x64xf32, #tpu.memory_space<hbm>>
      %dma_wait3A_370 = tpu.memref_squeeze %dma_wait3A_369 : memref<1x64xf32, #tpu.memory_space<hbm>> -> memref<64xf32, #tpu.memory_space<hbm>>
      tpu.wait_dma2 semaphore(%arg14 : memref<!tpu.dma_semaphore, #tpu.memory_space<semaphore_mem>>) src(%dma_wait3A_370 : memref<64xf32, #tpu.memory_space<hbm>>) dst(%dma_wait3A_367 : memref<64xf32, #tpu.memory_space<vmem>>)
      %dma_wait3A_371 = arith.constant 1 : i32
      %dma_wait3A_372 = arith.constant 1 : i32
      %dma_wait3A_373 = arith.constant 64 : i32
      %dma_wait3A_374 = tpu.memref_slice %arg11[%dma_wait3A_372, %dma_wait3A_373] : memref<24x128xf32, #tpu.memory_space<vmem>> -> memref<1x64xf32, #tpu.memory_space<vmem>>
      %dma_wait3A_375 = tpu.memref_squeeze %dma_wait3A_374 : memref<1x64xf32, #tpu.memory_space<vmem>> -> memref<64xf32, #tpu.memory_space<vmem>>
      %dma_wait3A_376 = arith.constant 0 : i32
      %dma_wait3A_377 = tpu.memref_slice %arg3[%dma_wait3A_371, %dma_wait3A_376] : memref<24x64xf32, #tpu.memory_space<hbm>> -> memref<1x64xf32, #tpu.memory_space<hbm>>
      %dma_wait3A_378 = tpu.memref_squeeze %dma_wait3A_377 : memref<1x64xf32, #tpu.memory_space<hbm>> -> memref<64xf32, #tpu.memory_space<hbm>>
      %dma_wait3A_379 = arith.constant 64 : i32
      %dma_wait3A_380 = tpu.memref_slice %arg11[%dma_wait3A_372, %dma_wait3A_379] : memref<24x128xf32, #tpu.memory_space<vmem>> -> memref<1x64xf32, #tpu.memory_space<vmem>>
      %dma_wait3A_381 = tpu.memref_squeeze %dma_wait3A_380 : memref<1x64xf32, #tpu.memory_space<vmem>> -> memref<64xf32, #tpu.memory_space<vmem>>
      %dma_wait3A_382 = arith.constant 0 : i32
      %dma_wait3A_383 = tpu.memref_slice %arg3[%dma_wait3A_371, %dma_wait3A_382] : memref<24x64xf32, #tpu.memory_space<hbm>> -> memref<1x64xf32, #tpu.memory_space<hbm>>
      %dma_wait3A_384 = tpu.memref_squeeze %dma_wait3A_383 : memref<1x64xf32, #tpu.memory_space<hbm>> -> memref<64xf32, #tpu.memory_space<hbm>>
      tpu.wait_dma2 semaphore(%arg14 : memref<!tpu.dma_semaphore, #tpu.memory_space<semaphore_mem>>) src(%dma_wait3A_384 : memref<64xf32, #tpu.memory_space<hbm>>) dst(%dma_wait3A_381 : memref<64xf32, #tpu.memory_space<vmem>>)
      %dma_wait3A_385 = arith.constant 2 : i32
      %dma_wait3A_386 = arith.constant 2 : i32
      %dma_wait3A_387 = arith.constant 64 : i32
      %dma_wait3A_388 = tpu.memref_slice %arg11[%dma_wait3A_386, %dma_wait3A_387] : memref<24x128xf32, #tpu.memory_space<vmem>> -> memref<1x64xf32, #tpu.memory_space<vmem>>
      %dma_wait3A_389 = tpu.memref_squeeze %dma_wait3A_388 : memref<1x64xf32, #tpu.memory_space<vmem>> -> memref<64xf32, #tpu.memory_space<vmem>>
      %dma_wait3A_390 = arith.constant 0 : i32
      %dma_wait3A_391 = tpu.memref_slice %arg3[%dma_wait3A_385, %dma_wait3A_390] : memref<24x64xf32, #tpu.memory_space<hbm>> -> memref<1x64xf32, #tpu.memory_space<hbm>>
      %dma_wait3A_392 = tpu.memref_squeeze %dma_wait3A_391 : memref<1x64xf32, #tpu.memory_space<hbm>> -> memref<64xf32, #tpu.memory_space<hbm>>
      %dma_wait3A_393 = arith.constant 64 : i32
      %dma_wait3A_394 = tpu.memref_slice %arg11[%dma_wait3A_386, %dma_wait3A_393] : memref<24x128xf32, #tpu.memory_space<vmem>> -> memref<1x64xf32, #tpu.memory_space<vmem>>
      %dma_wait3A_395 = tpu.memref_squeeze %dma_wait3A_394 : memref<1x64xf32, #tpu.memory_space<vmem>> -> memref<64xf32, #tpu.memory_space<vmem>>
      %dma_wait3A_396 = arith.constant 0 : i32
      %dma_wait3A_397 = tpu.memref_slice %arg3[%dma_wait3A_385, %dma_wait3A_396] : memref<24x64xf32, #tpu.memory_space<hbm>> -> memref<1x64xf32, #tpu.memory_space<hbm>>
      %dma_wait3A_398 = tpu.memref_squeeze %dma_wait3A_397 : memref<1x64xf32, #tpu.memory_space<hbm>> -> memref<64xf32, #tpu.memory_space<hbm>>
      tpu.wait_dma2 semaphore(%arg14 : memref<!tpu.dma_semaphore, #tpu.memory_space<semaphore_mem>>) src(%dma_wait3A_398 : memref<64xf32, #tpu.memory_space<hbm>>) dst(%dma_wait3A_395 : memref<64xf32, #tpu.memory_space<vmem>>)
      %dma_wait3A_399 = arith.constant 3 : i32
      %dma_wait3A_400 = arith.constant 3 : i32
      %dma_wait3A_401 = arith.constant 64 : i32
      %dma_wait3A_402 = tpu.memref_slice %arg11[%dma_wait3A_400, %dma_wait3A_401] : memref<24x128xf32, #tpu.memory_space<vmem>> -> memref<1x64xf32, #tpu.memory_space<vmem>>
      %dma_wait3A_403 = tpu.memref_squeeze %dma_wait3A_402 : memref<1x64xf32, #tpu.memory_space<vmem>> -> memref<64xf32, #tpu.memory_space<vmem>>
      %dma_wait3A_404 = arith.constant 0 : i32
      %dma_wait3A_405 = tpu.memref_slice %arg3[%dma_wait3A_399, %dma_wait3A_404] : memref<24x64xf32, #tpu.memory_space<hbm>> -> memref<1x64xf32, #tpu.memory_space<hbm>>
      %dma_wait3A_406 = tpu.memref_squeeze %dma_wait3A_405 : memref<1x64xf32, #tpu.memory_space<hbm>> -> memref<64xf32, #tpu.memory_space<hbm>>
      %dma_wait3A_407 = arith.constant 64 : i32
      %dma_wait3A_408 = tpu.memref_slice %arg11[%dma_wait3A_400, %dma_wait3A_407] : memref<24x128xf32, #tpu.memory_space<vmem>> -> memref<1x64xf32, #tpu.memory_space<vmem>>
      %dma_wait3A_409 = tpu.memref_squeeze %dma_wait3A_408 : memref<1x64xf32, #tpu.memory_space<vmem>> -> memref<64xf32, #tpu.memory_space<vmem>>
      %dma_wait3A_410 = arith.constant 0 : i32
      %dma_wait3A_411 = tpu.memref_slice %arg3[%dma_wait3A_399, %dma_wait3A_410] : memref<24x64xf32, #tpu.memory_space<hbm>> -> memref<1x64xf32, #tpu.memory_space<hbm>>
      %dma_wait3A_412 = tpu.memref_squeeze %dma_wait3A_411 : memref<1x64xf32, #tpu.memory_space<hbm>> -> memref<64xf32, #tpu.memory_space<hbm>>
      tpu.wait_dma2 semaphore(%arg14 : memref<!tpu.dma_semaphore, #tpu.memory_space<semaphore_mem>>) src(%dma_wait3A_412 : memref<64xf32, #tpu.memory_space<hbm>>) dst(%dma_wait3A_409 : memref<64xf32, #tpu.memory_space<vmem>>)
      %dma_wait3A_413 = arith.constant 4 : i32
      %dma_wait3A_414 = arith.constant 4 : i32
      %dma_wait3A_415 = arith.constant 64 : i32
      %dma_wait3A_416 = tpu.memref_slice %arg11[%dma_wait3A_414, %dma_wait3A_415] : memref<24x128xf32, #tpu.memory_space<vmem>> -> memref<1x64xf32, #tpu.memory_space<vmem>>
      %dma_wait3A_417 = tpu.memref_squeeze %dma_wait3A_416 : memref<1x64xf32, #tpu.memory_space<vmem>> -> memref<64xf32, #tpu.memory_space<vmem>>
      %dma_wait3A_418 = arith.constant 0 : i32
      %dma_wait3A_419 = tpu.memref_slice %arg3[%dma_wait3A_413, %dma_wait3A_418] : memref<24x64xf32, #tpu.memory_space<hbm>> -> memref<1x64xf32, #tpu.memory_space<hbm>>
      %dma_wait3A_420 = tpu.memref_squeeze %dma_wait3A_419 : memref<1x64xf32, #tpu.memory_space<hbm>> -> memref<64xf32, #tpu.memory_space<hbm>>
      %dma_wait3A_421 = arith.constant 64 : i32
      %dma_wait3A_422 = tpu.memref_slice %arg11[%dma_wait3A_414, %dma_wait3A_421] : memref<24x128xf32, #tpu.memory_space<vmem>> -> memref<1x64xf32, #tpu.memory_space<vmem>>
      %dma_wait3A_423 = tpu.memref_squeeze %dma_wait3A_422 : memref<1x64xf32, #tpu.memory_space<vmem>> -> memref<64xf32, #tpu.memory_space<vmem>>
      %dma_wait3A_424 = arith.constant 0 : i32
      %dma_wait3A_425 = tpu.memref_slice %arg3[%dma_wait3A_413, %dma_wait3A_424] : memref<24x64xf32, #tpu.memory_space<hbm>> -> memref<1x64xf32, #tpu.memory_space<hbm>>
      %dma_wait3A_426 = tpu.memref_squeeze %dma_wait3A_425 : memref<1x64xf32, #tpu.memory_space<hbm>> -> memref<64xf32, #tpu.memory_space<hbm>>
      tpu.wait_dma2 semaphore(%arg14 : memref<!tpu.dma_semaphore, #tpu.memory_space<semaphore_mem>>) src(%dma_wait3A_426 : memref<64xf32, #tpu.memory_space<hbm>>) dst(%dma_wait3A_423 : memref<64xf32, #tpu.memory_space<vmem>>)
      %dma_wait3A_427 = arith.constant 5 : i32
      %dma_wait3A_428 = arith.constant 5 : i32
      %dma_wait3A_429 = arith.constant 64 : i32
      %dma_wait3A_430 = tpu.memref_slice %arg11[%dma_wait3A_428, %dma_wait3A_429] : memref<24x128xf32, #tpu.memory_space<vmem>> -> memref<1x64xf32, #tpu.memory_space<vmem>>
      %dma_wait3A_431 = tpu.memref_squeeze %dma_wait3A_430 : memref<1x64xf32, #tpu.memory_space<vmem>> -> memref<64xf32, #tpu.memory_space<vmem>>
      %dma_wait3A_432 = arith.constant 0 : i32
      %dma_wait3A_433 = tpu.memref_slice %arg3[%dma_wait3A_427, %dma_wait3A_432] : memref<24x64xf32, #tpu.memory_space<hbm>> -> memref<1x64xf32, #tpu.memory_space<hbm>>
      %dma_wait3A_434 = tpu.memref_squeeze %dma_wait3A_433 : memref<1x64xf32, #tpu.memory_space<hbm>> -> memref<64xf32, #tpu.memory_space<hbm>>
      %dma_wait3A_435 = arith.constant 64 : i32
      %dma_wait3A_436 = tpu.memref_slice %arg11[%dma_wait3A_428, %dma_wait3A_435] : memref<24x128xf32, #tpu.memory_space<vmem>> -> memref<1x64xf32, #tpu.memory_space<vmem>>
      %dma_wait3A_437 = tpu.memref_squeeze %dma_wait3A_436 : memref<1x64xf32, #tpu.memory_space<vmem>> -> memref<64xf32, #tpu.memory_space<vmem>>
      %dma_wait3A_438 = arith.constant 0 : i32
      %dma_wait3A_439 = tpu.memref_slice %arg3[%dma_wait3A_427, %dma_wait3A_438] : memref<24x64xf32, #tpu.memory_space<hbm>> -> memref<1x64xf32, #tpu.memory_space<hbm>>
      %dma_wait3A_440 = tpu.memref_squeeze %dma_wait3A_439 : memref<1x64xf32, #tpu.memory_space<hbm>> -> memref<64xf32, #tpu.memory_space<hbm>>
      tpu.wait_dma2 semaphore(%arg14 : memref<!tpu.dma_semaphore, #tpu.memory_space<semaphore_mem>>) src(%dma_wait3A_440 : memref<64xf32, #tpu.memory_space<hbm>>) dst(%dma_wait3A_437 : memref<64xf32, #tpu.memory_space<vmem>>)
      %dma_wait3A_441 = arith.constant 6 : i32
      %dma_wait3A_442 = arith.constant 6 : i32
      %dma_wait3A_443 = arith.constant 64 : i32
      %dma_wait3A_444 = tpu.memref_slice %arg11[%dma_wait3A_442, %dma_wait3A_443] : memref<24x128xf32, #tpu.memory_space<vmem>> -> memref<1x64xf32, #tpu.memory_space<vmem>>
      %dma_wait3A_445 = tpu.memref_squeeze %dma_wait3A_444 : memref<1x64xf32, #tpu.memory_space<vmem>> -> memref<64xf32, #tpu.memory_space<vmem>>
      %dma_wait3A_446 = arith.constant 0 : i32
      %dma_wait3A_447 = tpu.memref_slice %arg3[%dma_wait3A_441, %dma_wait3A_446] : memref<24x64xf32, #tpu.memory_space<hbm>> -> memref<1x64xf32, #tpu.memory_space<hbm>>
      %dma_wait3A_448 = tpu.memref_squeeze %dma_wait3A_447 : memref<1x64xf32, #tpu.memory_space<hbm>> -> memref<64xf32, #tpu.memory_space<hbm>>
      %dma_wait3A_449 = arith.constant 64 : i32
      %dma_wait3A_450 = tpu.memref_slice %arg11[%dma_wait3A_442, %dma_wait3A_449] : memref<24x128xf32, #tpu.memory_space<vmem>> -> memref<1x64xf32, #tpu.memory_space<vmem>>
      %dma_wait3A_451 = tpu.memref_squeeze %dma_wait3A_450 : memref<1x64xf32, #tpu.memory_space<vmem>> -> memref<64xf32, #tpu.memory_space<vmem>>
      %dma_wait3A_452 = arith.constant 0 : i32
      %dma_wait3A_453 = tpu.memref_slice %arg3[%dma_wait3A_441, %dma_wait3A_452] : memref<24x64xf32, #tpu.memory_space<hbm>> -> memref<1x64xf32, #tpu.memory_space<hbm>>
      %dma_wait3A_454 = tpu.memref_squeeze %dma_wait3A_453 : memref<1x64xf32, #tpu.memory_space<hbm>> -> memref<64xf32, #tpu.memory_space<hbm>>
      tpu.wait_dma2 semaphore(%arg14 : memref<!tpu.dma_semaphore, #tpu.memory_space<semaphore_mem>>) src(%dma_wait3A_454 : memref<64xf32, #tpu.memory_space<hbm>>) dst(%dma_wait3A_451 : memref<64xf32, #tpu.memory_space<vmem>>)
      %dma_wait3A_455 = arith.constant 7 : i32
      %dma_wait3A_456 = arith.constant 7 : i32
      %dma_wait3A_457 = arith.constant 64 : i32
      %dma_wait3A_458 = tpu.memref_slice %arg11[%dma_wait3A_456, %dma_wait3A_457] : memref<24x128xf32, #tpu.memory_space<vmem>> -> memref<1x64xf32, #tpu.memory_space<vmem>>
      %dma_wait3A_459 = tpu.memref_squeeze %dma_wait3A_458 : memref<1x64xf32, #tpu.memory_space<vmem>> -> memref<64xf32, #tpu.memory_space<vmem>>
      %dma_wait3A_460 = arith.constant 0 : i32
      %dma_wait3A_461 = tpu.memref_slice %arg3[%dma_wait3A_455, %dma_wait3A_460] : memref<24x64xf32, #tpu.memory_space<hbm>> -> memref<1x64xf32, #tpu.memory_space<hbm>>
      %dma_wait3A_462 = tpu.memref_squeeze %dma_wait3A_461 : memref<1x64xf32, #tpu.memory_space<hbm>> -> memref<64xf32, #tpu.memory_space<hbm>>
      %dma_wait3A_463 = arith.constant 64 : i32
      %dma_wait3A_464 = tpu.memref_slice %arg11[%dma_wait3A_456, %dma_wait3A_463] : memref<24x128xf32, #tpu.memory_space<vmem>> -> memref<1x64xf32, #tpu.memory_space<vmem>>
      %dma_wait3A_465 = tpu.memref_squeeze %dma_wait3A_464 : memref<1x64xf32, #tpu.memory_space<vmem>> -> memref<64xf32, #tpu.memory_space<vmem>>
      %dma_wait3A_466 = arith.constant 0 : i32
      %dma_wait3A_467 = tpu.memref_slice %arg3[%dma_wait3A_455, %dma_wait3A_466] : memref<24x64xf32, #tpu.memory_space<hbm>> -> memref<1x64xf32, #tpu.memory_space<hbm>>
      %dma_wait3A_468 = tpu.memref_squeeze %dma_wait3A_467 : memref<1x64xf32, #tpu.memory_space<hbm>> -> memref<64xf32, #tpu.memory_space<hbm>>
      tpu.wait_dma2 semaphore(%arg14 : memref<!tpu.dma_semaphore, #tpu.memory_space<semaphore_mem>>) src(%dma_wait3A_468 : memref<64xf32, #tpu.memory_space<hbm>>) dst(%dma_wait3A_465 : memref<64xf32, #tpu.memory_space<vmem>>)
      %dma_wait3A_469 = arith.constant 8 : i32
      %dma_wait3A_470 = arith.constant 8 : i32
      %dma_wait3A_471 = arith.constant 64 : i32
      %dma_wait3A_472 = tpu.memref_slice %arg11[%dma_wait3A_470, %dma_wait3A_471] : memref<24x128xf32, #tpu.memory_space<vmem>> -> memref<1x64xf32, #tpu.memory_space<vmem>>
      %dma_wait3A_473 = tpu.memref_squeeze %dma_wait3A_472 : memref<1x64xf32, #tpu.memory_space<vmem>> -> memref<64xf32, #tpu.memory_space<vmem>>
      %dma_wait3A_474 = arith.constant 0 : i32
      %dma_wait3A_475 = tpu.memref_slice %arg3[%dma_wait3A_469, %dma_wait3A_474] : memref<24x64xf32, #tpu.memory_space<hbm>> -> memref<1x64xf32, #tpu.memory_space<hbm>>
      %dma_wait3A_476 = tpu.memref_squeeze %dma_wait3A_475 : memref<1x64xf32, #tpu.memory_space<hbm>> -> memref<64xf32, #tpu.memory_space<hbm>>
      %dma_wait3A_477 = arith.constant 64 : i32
      %dma_wait3A_478 = tpu.memref_slice %arg11[%dma_wait3A_470, %dma_wait3A_477] : memref<24x128xf32, #tpu.memory_space<vmem>> -> memref<1x64xf32, #tpu.memory_space<vmem>>
      %dma_wait3A_479 = tpu.memref_squeeze %dma_wait3A_478 : memref<1x64xf32, #tpu.memory_space<vmem>> -> memref<64xf32, #tpu.memory_space<vmem>>
      %dma_wait3A_480 = arith.constant 0 : i32
      %dma_wait3A_481 = tpu.memref_slice %arg3[%dma_wait3A_469, %dma_wait3A_480] : memref<24x64xf32, #tpu.memory_space<hbm>> -> memref<1x64xf32, #tpu.memory_space<hbm>>
      %dma_wait3A_482 = tpu.memref_squeeze %dma_wait3A_481 : memref<1x64xf32, #tpu.memory_space<hbm>> -> memref<64xf32, #tpu.memory_space<hbm>>
      tpu.wait_dma2 semaphore(%arg14 : memref<!tpu.dma_semaphore, #tpu.memory_space<semaphore_mem>>) src(%dma_wait3A_482 : memref<64xf32, #tpu.memory_space<hbm>>) dst(%dma_wait3A_479 : memref<64xf32, #tpu.memory_space<vmem>>)
      %dma_wait3A_483 = arith.constant 9 : i32
      %dma_wait3A_484 = arith.constant 9 : i32
      %dma_wait3A_485 = arith.constant 64 : i32
      %dma_wait3A_486 = tpu.memref_slice %arg11[%dma_wait3A_484, %dma_wait3A_485] : memref<24x128xf32, #tpu.memory_space<vmem>> -> memref<1x64xf32, #tpu.memory_space<vmem>>
      %dma_wait3A_487 = tpu.memref_squeeze %dma_wait3A_486 : memref<1x64xf32, #tpu.memory_space<vmem>> -> memref<64xf32, #tpu.memory_space<vmem>>
      %dma_wait3A_488 = arith.constant 0 : i32
      %dma_wait3A_489 = tpu.memref_slice %arg3[%dma_wait3A_483, %dma_wait3A_488] : memref<24x64xf32, #tpu.memory_space<hbm>> -> memref<1x64xf32, #tpu.memory_space<hbm>>
      %dma_wait3A_490 = tpu.memref_squeeze %dma_wait3A_489 : memref<1x64xf32, #tpu.memory_space<hbm>> -> memref<64xf32, #tpu.memory_space<hbm>>
      %dma_wait3A_491 = arith.constant 64 : i32
      %dma_wait3A_492 = tpu.memref_slice %arg11[%dma_wait3A_484, %dma_wait3A_491] : memref<24x128xf32, #tpu.memory_space<vmem>> -> memref<1x64xf32, #tpu.memory_space<vmem>>
      %dma_wait3A_493 = tpu.memref_squeeze %dma_wait3A_492 : memref<1x64xf32, #tpu.memory_space<vmem>> -> memref<64xf32, #tpu.memory_space<vmem>>
      %dma_wait3A_494 = arith.constant 0 : i32
      %dma_wait3A_495 = tpu.memref_slice %arg3[%dma_wait3A_483, %dma_wait3A_494] : memref<24x64xf32, #tpu.memory_space<hbm>> -> memref<1x64xf32, #tpu.memory_space<hbm>>
      %dma_wait3A_496 = tpu.memref_squeeze %dma_wait3A_495 : memref<1x64xf32, #tpu.memory_space<hbm>> -> memref<64xf32, #tpu.memory_space<hbm>>
      tpu.wait_dma2 semaphore(%arg14 : memref<!tpu.dma_semaphore, #tpu.memory_space<semaphore_mem>>) src(%dma_wait3A_496 : memref<64xf32, #tpu.memory_space<hbm>>) dst(%dma_wait3A_493 : memref<64xf32, #tpu.memory_space<vmem>>)
      %dma_wait3A_497 = arith.constant 10 : i32
      %dma_wait3A_498 = arith.constant 10 : i32
      %dma_wait3A_499 = arith.constant 64 : i32
      %dma_wait3A_500 = tpu.memref_slice %arg11[%dma_wait3A_498, %dma_wait3A_499] : memref<24x128xf32, #tpu.memory_space<vmem>> -> memref<1x64xf32, #tpu.memory_space<vmem>>
      %dma_wait3A_501 = tpu.memref_squeeze %dma_wait3A_500 : memref<1x64xf32, #tpu.memory_space<vmem>> -> memref<64xf32, #tpu.memory_space<vmem>>
      %dma_wait3A_502 = arith.constant 0 : i32
      %dma_wait3A_503 = tpu.memref_slice %arg3[%dma_wait3A_497, %dma_wait3A_502] : memref<24x64xf32, #tpu.memory_space<hbm>> -> memref<1x64xf32, #tpu.memory_space<hbm>>
      %dma_wait3A_504 = tpu.memref_squeeze %dma_wait3A_503 : memref<1x64xf32, #tpu.memory_space<hbm>> -> memref<64xf32, #tpu.memory_space<hbm>>
      %dma_wait3A_505 = arith.constant 64 : i32
      %dma_wait3A_506 = tpu.memref_slice %arg11[%dma_wait3A_498, %dma_wait3A_505] : memref<24x128xf32, #tpu.memory_space<vmem>> -> memref<1x64xf32, #tpu.memory_space<vmem>>
      %dma_wait3A_507 = tpu.memref_squeeze %dma_wait3A_506 : memref<1x64xf32, #tpu.memory_space<vmem>> -> memref<64xf32, #tpu.memory_space<vmem>>
      %dma_wait3A_508 = arith.constant 0 : i32
      %dma_wait3A_509 = tpu.memref_slice %arg3[%dma_wait3A_497, %dma_wait3A_508] : memref<24x64xf32, #tpu.memory_space<hbm>> -> memref<1x64xf32, #tpu.memory_space<hbm>>
      %dma_wait3A_510 = tpu.memref_squeeze %dma_wait3A_509 : memref<1x64xf32, #tpu.memory_space<hbm>> -> memref<64xf32, #tpu.memory_space<hbm>>
      tpu.wait_dma2 semaphore(%arg14 : memref<!tpu.dma_semaphore, #tpu.memory_space<semaphore_mem>>) src(%dma_wait3A_510 : memref<64xf32, #tpu.memory_space<hbm>>) dst(%dma_wait3A_507 : memref<64xf32, #tpu.memory_space<vmem>>)
      %dma_wait3A_511 = arith.constant 11 : i32
      %dma_wait3A_512 = arith.constant 11 : i32
      %dma_wait3A_513 = arith.constant 64 : i32
      %dma_wait3A_514 = tpu.memref_slice %arg11[%dma_wait3A_512, %dma_wait3A_513] : memref<24x128xf32, #tpu.memory_space<vmem>> -> memref<1x64xf32, #tpu.memory_space<vmem>>
      %dma_wait3A_515 = tpu.memref_squeeze %dma_wait3A_514 : memref<1x64xf32, #tpu.memory_space<vmem>> -> memref<64xf32, #tpu.memory_space<vmem>>
      %dma_wait3A_516 = arith.constant 0 : i32
      %dma_wait3A_517 = tpu.memref_slice %arg3[%dma_wait3A_511, %dma_wait3A_516] : memref<24x64xf32, #tpu.memory_space<hbm>> -> memref<1x64xf32, #tpu.memory_space<hbm>>
      %dma_wait3A_518 = tpu.memref_squeeze %dma_wait3A_517 : memref<1x64xf32, #tpu.memory_space<hbm>> -> memref<64xf32, #tpu.memory_space<hbm>>
      %dma_wait3A_519 = arith.constant 64 : i32
      %dma_wait3A_520 = tpu.memref_slice %arg11[%dma_wait3A_512, %dma_wait3A_519] : memref<24x128xf32, #tpu.memory_space<vmem>> -> memref<1x64xf32, #tpu.memory_space<vmem>>
      %dma_wait3A_521 = tpu.memref_squeeze %dma_wait3A_520 : memref<1x64xf32, #tpu.memory_space<vmem>> -> memref<64xf32, #tpu.memory_space<vmem>>
      %dma_wait3A_522 = arith.constant 0 : i32
      %dma_wait3A_523 = tpu.memref_slice %arg3[%dma_wait3A_511, %dma_wait3A_522] : memref<24x64xf32, #tpu.memory_space<hbm>> -> memref<1x64xf32, #tpu.memory_space<hbm>>
      %dma_wait3A_524 = tpu.memref_squeeze %dma_wait3A_523 : memref<1x64xf32, #tpu.memory_space<hbm>> -> memref<64xf32, #tpu.memory_space<hbm>>
      tpu.wait_dma2 semaphore(%arg14 : memref<!tpu.dma_semaphore, #tpu.memory_space<semaphore_mem>>) src(%dma_wait3A_524 : memref<64xf32, #tpu.memory_space<hbm>>) dst(%dma_wait3A_521 : memref<64xf32, #tpu.memory_space<vmem>>)
      %dma_wait3A_525 = arith.constant 12 : i32
      %dma_wait3A_526 = arith.constant 12 : i32
      %dma_wait3A_527 = arith.constant 64 : i32
      %dma_wait3A_528 = tpu.memref_slice %arg11[%dma_wait3A_526, %dma_wait3A_527] : memref<24x128xf32, #tpu.memory_space<vmem>> -> memref<1x64xf32, #tpu.memory_space<vmem>>
      %dma_wait3A_529 = tpu.memref_squeeze %dma_wait3A_528 : memref<1x64xf32, #tpu.memory_space<vmem>> -> memref<64xf32, #tpu.memory_space<vmem>>
      %dma_wait3A_530 = arith.constant 0 : i32
      %dma_wait3A_531 = tpu.memref_slice %arg3[%dma_wait3A_525, %dma_wait3A_530] : memref<24x64xf32, #tpu.memory_space<hbm>> -> memref<1x64xf32, #tpu.memory_space<hbm>>
      %dma_wait3A_532 = tpu.memref_squeeze %dma_wait3A_531 : memref<1x64xf32, #tpu.memory_space<hbm>> -> memref<64xf32, #tpu.memory_space<hbm>>
      %dma_wait3A_533 = arith.constant 64 : i32
      %dma_wait3A_534 = tpu.memref_slice %arg11[%dma_wait3A_526, %dma_wait3A_533] : memref<24x128xf32, #tpu.memory_space<vmem>> -> memref<1x64xf32, #tpu.memory_space<vmem>>
      %dma_wait3A_535 = tpu.memref_squeeze %dma_wait3A_534 : memref<1x64xf32, #tpu.memory_space<vmem>> -> memref<64xf32, #tpu.memory_space<vmem>>
      %dma_wait3A_536 = arith.constant 0 : i32
      %dma_wait3A_537 = tpu.memref_slice %arg3[%dma_wait3A_525, %dma_wait3A_536] : memref<24x64xf32, #tpu.memory_space<hbm>> -> memref<1x64xf32, #tpu.memory_space<hbm>>
      %dma_wait3A_538 = tpu.memref_squeeze %dma_wait3A_537 : memref<1x64xf32, #tpu.memory_space<hbm>> -> memref<64xf32, #tpu.memory_space<hbm>>
      tpu.wait_dma2 semaphore(%arg14 : memref<!tpu.dma_semaphore, #tpu.memory_space<semaphore_mem>>) src(%dma_wait3A_538 : memref<64xf32, #tpu.memory_space<hbm>>) dst(%dma_wait3A_535 : memref<64xf32, #tpu.memory_space<vmem>>)
      %dma_wait3A_539 = arith.constant 13 : i32
      %dma_wait3A_540 = arith.constant 13 : i32
      %dma_wait3A_541 = arith.constant 64 : i32
      %dma_wait3A_542 = tpu.memref_slice %arg11[%dma_wait3A_540, %dma_wait3A_541] : memref<24x128xf32, #tpu.memory_space<vmem>> -> memref<1x64xf32, #tpu.memory_space<vmem>>
      %dma_wait3A_543 = tpu.memref_squeeze %dma_wait3A_542 : memref<1x64xf32, #tpu.memory_space<vmem>> -> memref<64xf32, #tpu.memory_space<vmem>>
      %dma_wait3A_544 = arith.constant 0 : i32
      %dma_wait3A_545 = tpu.memref_slice %arg3[%dma_wait3A_539, %dma_wait3A_544] : memref<24x64xf32, #tpu.memory_space<hbm>> -> memref<1x64xf32, #tpu.memory_space<hbm>>
      %dma_wait3A_546 = tpu.memref_squeeze %dma_wait3A_545 : memref<1x64xf32, #tpu.memory_space<hbm>> -> memref<64xf32, #tpu.memory_space<hbm>>
      %dma_wait3A_547 = arith.constant 64 : i32
      %dma_wait3A_548 = tpu.memref_slice %arg11[%dma_wait3A_540, %dma_wait3A_547] : memref<24x128xf32, #tpu.memory_space<vmem>> -> memref<1x64xf32, #tpu.memory_space<vmem>>
      %dma_wait3A_549 = tpu.memref_squeeze %dma_wait3A_548 : memref<1x64xf32, #tpu.memory_space<vmem>> -> memref<64xf32, #tpu.memory_space<vmem>>
      %dma_wait3A_550 = arith.constant 0 : i32
      %dma_wait3A_551 = tpu.memref_slice %arg3[%dma_wait3A_539, %dma_wait3A_550] : memref<24x64xf32, #tpu.memory_space<hbm>> -> memref<1x64xf32, #tpu.memory_space<hbm>>
      %dma_wait3A_552 = tpu.memref_squeeze %dma_wait3A_551 : memref<1x64xf32, #tpu.memory_space<hbm>> -> memref<64xf32, #tpu.memory_space<hbm>>
      tpu.wait_dma2 semaphore(%arg14 : memref<!tpu.dma_semaphore, #tpu.memory_space<semaphore_mem>>) src(%dma_wait3A_552 : memref<64xf32, #tpu.memory_space<hbm>>) dst(%dma_wait3A_549 : memref<64xf32, #tpu.memory_space<vmem>>)
      %dma_wait3A_553 = arith.constant 14 : i32
      %dma_wait3A_554 = arith.constant 14 : i32
      %dma_wait3A_555 = arith.constant 64 : i32
      %dma_wait3A_556 = tpu.memref_slice %arg11[%dma_wait3A_554, %dma_wait3A_555] : memref<24x128xf32, #tpu.memory_space<vmem>> -> memref<1x64xf32, #tpu.memory_space<vmem>>
      %dma_wait3A_557 = tpu.memref_squeeze %dma_wait3A_556 : memref<1x64xf32, #tpu.memory_space<vmem>> -> memref<64xf32, #tpu.memory_space<vmem>>
      %dma_wait3A_558 = arith.constant 0 : i32
      %dma_wait3A_559 = tpu.memref_slice %arg3[%dma_wait3A_553, %dma_wait3A_558] : memref<24x64xf32, #tpu.memory_space<hbm>> -> memref<1x64xf32, #tpu.memory_space<hbm>>
      %dma_wait3A_560 = tpu.memref_squeeze %dma_wait3A_559 : memref<1x64xf32, #tpu.memory_space<hbm>> -> memref<64xf32, #tpu.memory_space<hbm>>
      %dma_wait3A_561 = arith.constant 64 : i32
      %dma_wait3A_562 = tpu.memref_slice %arg11[%dma_wait3A_554, %dma_wait3A_561] : memref<24x128xf32, #tpu.memory_space<vmem>> -> memref<1x64xf32, #tpu.memory_space<vmem>>
      %dma_wait3A_563 = tpu.memref_squeeze %dma_wait3A_562 : memref<1x64xf32, #tpu.memory_space<vmem>> -> memref<64xf32, #tpu.memory_space<vmem>>
      %dma_wait3A_564 = arith.constant 0 : i32
      %dma_wait3A_565 = tpu.memref_slice %arg3[%dma_wait3A_553, %dma_wait3A_564] : memref<24x64xf32, #tpu.memory_space<hbm>> -> memref<1x64xf32, #tpu.memory_space<hbm>>
      %dma_wait3A_566 = tpu.memref_squeeze %dma_wait3A_565 : memref<1x64xf32, #tpu.memory_space<hbm>> -> memref<64xf32, #tpu.memory_space<hbm>>
      tpu.wait_dma2 semaphore(%arg14 : memref<!tpu.dma_semaphore, #tpu.memory_space<semaphore_mem>>) src(%dma_wait3A_566 : memref<64xf32, #tpu.memory_space<hbm>>) dst(%dma_wait3A_563 : memref<64xf32, #tpu.memory_space<vmem>>)
      %dma_wait3A_567 = arith.constant 15 : i32
      %dma_wait3A_568 = arith.constant 15 : i32
      %dma_wait3A_569 = arith.constant 64 : i32
      %dma_wait3A_570 = tpu.memref_slice %arg11[%dma_wait3A_568, %dma_wait3A_569] : memref<24x128xf32, #tpu.memory_space<vmem>> -> memref<1x64xf32, #tpu.memory_space<vmem>>
      %dma_wait3A_571 = tpu.memref_squeeze %dma_wait3A_570 : memref<1x64xf32, #tpu.memory_space<vmem>> -> memref<64xf32, #tpu.memory_space<vmem>>
      %dma_wait3A_572 = arith.constant 0 : i32
      %dma_wait3A_573 = tpu.memref_slice %arg3[%dma_wait3A_567, %dma_wait3A_572] : memref<24x64xf32, #tpu.memory_space<hbm>> -> memref<1x64xf32, #tpu.memory_space<hbm>>
      %dma_wait3A_574 = tpu.memref_squeeze %dma_wait3A_573 : memref<1x64xf32, #tpu.memory_space<hbm>> -> memref<64xf32, #tpu.memory_space<hbm>>
      %dma_wait3A_575 = arith.constant 64 : i32
      %dma_wait3A_576 = tpu.memref_slice %arg11[%dma_wait3A_568, %dma_wait3A_575] : memref<24x128xf32, #tpu.memory_space<vmem>> -> memref<1x64xf32, #tpu.memory_space<vmem>>
      %dma_wait3A_577 = tpu.memref_squeeze %dma_wait3A_576 : memref<1x64xf32, #tpu.memory_space<vmem>> -> memref<64xf32, #tpu.memory_space<vmem>>
      %dma_wait3A_578 = arith.constant 0 : i32
      %dma_wait3A_579 = tpu.memref_slice %arg3[%dma_wait3A_567, %dma_wait3A_578] : memref<24x64xf32, #tpu.memory_space<hbm>> -> memref<1x64xf32, #tpu.memory_space<hbm>>
      %dma_wait3A_580 = tpu.memref_squeeze %dma_wait3A_579 : memref<1x64xf32, #tpu.memory_space<hbm>> -> memref<64xf32, #tpu.memory_space<hbm>>
      tpu.wait_dma2 semaphore(%arg14 : memref<!tpu.dma_semaphore, #tpu.memory_space<semaphore_mem>>) src(%dma_wait3A_580 : memref<64xf32, #tpu.memory_space<hbm>>) dst(%dma_wait3A_577 : memref<64xf32, #tpu.memory_space<vmem>>)
      %dma_wait3A_581 = arith.constant 16 : i32
      %dma_wait3A_582 = arith.constant 16 : i32
      %dma_wait3A_583 = arith.constant 64 : i32
      %dma_wait3A_584 = tpu.memref_slice %arg11[%dma_wait3A_582, %dma_wait3A_583] : memref<24x128xf32, #tpu.memory_space<vmem>> -> memref<1x64xf32, #tpu.memory_space<vmem>>
      %dma_wait3A_585 = tpu.memref_squeeze %dma_wait3A_584 : memref<1x64xf32, #tpu.memory_space<vmem>> -> memref<64xf32, #tpu.memory_space<vmem>>
      %dma_wait3A_586 = arith.constant 0 : i32
      %dma_wait3A_587 = tpu.memref_slice %arg3[%dma_wait3A_581, %dma_wait3A_586] : memref<24x64xf32, #tpu.memory_space<hbm>> -> memref<1x64xf32, #tpu.memory_space<hbm>>
      %dma_wait3A_588 = tpu.memref_squeeze %dma_wait3A_587 : memref<1x64xf32, #tpu.memory_space<hbm>> -> memref<64xf32, #tpu.memory_space<hbm>>
      %dma_wait3A_589 = arith.constant 64 : i32
      %dma_wait3A_590 = tpu.memref_slice %arg11[%dma_wait3A_582, %dma_wait3A_589] : memref<24x128xf32, #tpu.memory_space<vmem>> -> memref<1x64xf32, #tpu.memory_space<vmem>>
      %dma_wait3A_591 = tpu.memref_squeeze %dma_wait3A_590 : memref<1x64xf32, #tpu.memory_space<vmem>> -> memref<64xf32, #tpu.memory_space<vmem>>
      %dma_wait3A_592 = arith.constant 0 : i32
      %dma_wait3A_593 = tpu.memref_slice %arg3[%dma_wait3A_581, %dma_wait3A_592] : memref<24x64xf32, #tpu.memory_space<hbm>> -> memref<1x64xf32, #tpu.memory_space<hbm>>
      %dma_wait3A_594 = tpu.memref_squeeze %dma_wait3A_593 : memref<1x64xf32, #tpu.memory_space<hbm>> -> memref<64xf32, #tpu.memory_space<hbm>>
      tpu.wait_dma2 semaphore(%arg14 : memref<!tpu.dma_semaphore, #tpu.memory_space<semaphore_mem>>) src(%dma_wait3A_594 : memref<64xf32, #tpu.memory_space<hbm>>) dst(%dma_wait3A_591 : memref<64xf32, #tpu.memory_space<vmem>>)
      %dma_wait3A_595 = arith.constant 17 : i32
      %dma_wait3A_596 = arith.constant 17 : i32
      %dma_wait3A_597 = arith.constant 64 : i32
      %dma_wait3A_598 = tpu.memref_slice %arg11[%dma_wait3A_596, %dma_wait3A_597] : memref<24x128xf32, #tpu.memory_space<vmem>> -> memref<1x64xf32, #tpu.memory_space<vmem>>
      %dma_wait3A_599 = tpu.memref_squeeze %dma_wait3A_598 : memref<1x64xf32, #tpu.memory_space<vmem>> -> memref<64xf32, #tpu.memory_space<vmem>>
      %dma_wait3A_600 = arith.constant 0 : i32
      %dma_wait3A_601 = tpu.memref_slice %arg3[%dma_wait3A_595, %dma_wait3A_600] : memref<24x64xf32, #tpu.memory_space<hbm>> -> memref<1x64xf32, #tpu.memory_space<hbm>>
      %dma_wait3A_602 = tpu.memref_squeeze %dma_wait3A_601 : memref<1x64xf32, #tpu.memory_space<hbm>> -> memref<64xf32, #tpu.memory_space<hbm>>
      %dma_wait3A_603 = arith.constant 64 : i32
      %dma_wait3A_604 = tpu.memref_slice %arg11[%dma_wait3A_596, %dma_wait3A_603] : memref<24x128xf32, #tpu.memory_space<vmem>> -> memref<1x64xf32, #tpu.memory_space<vmem>>
      %dma_wait3A_605 = tpu.memref_squeeze %dma_wait3A_604 : memref<1x64xf32, #tpu.memory_space<vmem>> -> memref<64xf32, #tpu.memory_space<vmem>>
      %dma_wait3A_606 = arith.constant 0 : i32
      %dma_wait3A_607 = tpu.memref_slice %arg3[%dma_wait3A_595, %dma_wait3A_606] : memref<24x64xf32, #tpu.memory_space<hbm>> -> memref<1x64xf32, #tpu.memory_space<hbm>>
      %dma_wait3A_608 = tpu.memref_squeeze %dma_wait3A_607 : memref<1x64xf32, #tpu.memory_space<hbm>> -> memref<64xf32, #tpu.memory_space<hbm>>
      tpu.wait_dma2 semaphore(%arg14 : memref<!tpu.dma_semaphore, #tpu.memory_space<semaphore_mem>>) src(%dma_wait3A_608 : memref<64xf32, #tpu.memory_space<hbm>>) dst(%dma_wait3A_605 : memref<64xf32, #tpu.memory_space<vmem>>)
      %dma_wait3A_609 = arith.constant 18 : i32
      %dma_wait3A_610 = arith.constant 18 : i32
      %dma_wait3A_611 = arith.constant 64 : i32
      %dma_wait3A_612 = tpu.memref_slice %arg11[%dma_wait3A_610, %dma_wait3A_611] : memref<24x128xf32, #tpu.memory_space<vmem>> -> memref<1x64xf32, #tpu.memory_space<vmem>>
      %dma_wait3A_613 = tpu.memref_squeeze %dma_wait3A_612 : memref<1x64xf32, #tpu.memory_space<vmem>> -> memref<64xf32, #tpu.memory_space<vmem>>
      %dma_wait3A_614 = arith.constant 0 : i32
      %dma_wait3A_615 = tpu.memref_slice %arg3[%dma_wait3A_609, %dma_wait3A_614] : memref<24x64xf32, #tpu.memory_space<hbm>> -> memref<1x64xf32, #tpu.memory_space<hbm>>
      %dma_wait3A_616 = tpu.memref_squeeze %dma_wait3A_615 : memref<1x64xf32, #tpu.memory_space<hbm>> -> memref<64xf32, #tpu.memory_space<hbm>>
      %dma_wait3A_617 = arith.constant 64 : i32
      %dma_wait3A_618 = tpu.memref_slice %arg11[%dma_wait3A_610, %dma_wait3A_617] : memref<24x128xf32, #tpu.memory_space<vmem>> -> memref<1x64xf32, #tpu.memory_space<vmem>>
      %dma_wait3A_619 = tpu.memref_squeeze %dma_wait3A_618 : memref<1x64xf32, #tpu.memory_space<vmem>> -> memref<64xf32, #tpu.memory_space<vmem>>
      %dma_wait3A_620 = arith.constant 0 : i32
      %dma_wait3A_621 = tpu.memref_slice %arg3[%dma_wait3A_609, %dma_wait3A_620] : memref<24x64xf32, #tpu.memory_space<hbm>> -> memref<1x64xf32, #tpu.memory_space<hbm>>
      %dma_wait3A_622 = tpu.memref_squeeze %dma_wait3A_621 : memref<1x64xf32, #tpu.memory_space<hbm>> -> memref<64xf32, #tpu.memory_space<hbm>>
      tpu.wait_dma2 semaphore(%arg14 : memref<!tpu.dma_semaphore, #tpu.memory_space<semaphore_mem>>) src(%dma_wait3A_622 : memref<64xf32, #tpu.memory_space<hbm>>) dst(%dma_wait3A_619 : memref<64xf32, #tpu.memory_space<vmem>>)
      %dma_wait3A_623 = arith.constant 19 : i32
      %dma_wait3A_624 = arith.constant 19 : i32
      %dma_wait3A_625 = arith.constant 64 : i32
      %dma_wait3A_626 = tpu.memref_slice %arg11[%dma_wait3A_624, %dma_wait3A_625] : memref<24x128xf32, #tpu.memory_space<vmem>> -> memref<1x64xf32, #tpu.memory_space<vmem>>
      %dma_wait3A_627 = tpu.memref_squeeze %dma_wait3A_626 : memref<1x64xf32, #tpu.memory_space<vmem>> -> memref<64xf32, #tpu.memory_space<vmem>>
      %dma_wait3A_628 = arith.constant 0 : i32
      %dma_wait3A_629 = tpu.memref_slice %arg3[%dma_wait3A_623, %dma_wait3A_628] : memref<24x64xf32, #tpu.memory_space<hbm>> -> memref<1x64xf32, #tpu.memory_space<hbm>>
      %dma_wait3A_630 = tpu.memref_squeeze %dma_wait3A_629 : memref<1x64xf32, #tpu.memory_space<hbm>> -> memref<64xf32, #tpu.memory_space<hbm>>
      %dma_wait3A_631 = arith.constant 64 : i32
      %dma_wait3A_632 = tpu.memref_slice %arg11[%dma_wait3A_624, %dma_wait3A_631] : memref<24x128xf32, #tpu.memory_space<vmem>> -> memref<1x64xf32, #tpu.memory_space<vmem>>
      %dma_wait3A_633 = tpu.memref_squeeze %dma_wait3A_632 : memref<1x64xf32, #tpu.memory_space<vmem>> -> memref<64xf32, #tpu.memory_space<vmem>>
      %dma_wait3A_634 = arith.constant 0 : i32
      %dma_wait3A_635 = tpu.memref_slice %arg3[%dma_wait3A_623, %dma_wait3A_634] : memref<24x64xf32, #tpu.memory_space<hbm>> -> memref<1x64xf32, #tpu.memory_space<hbm>>
      %dma_wait3A_636 = tpu.memref_squeeze %dma_wait3A_635 : memref<1x64xf32, #tpu.memory_space<hbm>> -> memref<64xf32, #tpu.memory_space<hbm>>
      tpu.wait_dma2 semaphore(%arg14 : memref<!tpu.dma_semaphore, #tpu.memory_space<semaphore_mem>>) src(%dma_wait3A_636 : memref<64xf32, #tpu.memory_space<hbm>>) dst(%dma_wait3A_633 : memref<64xf32, #tpu.memory_space<vmem>>)
      %dma_wait3A_637 = arith.constant 20 : i32
      %dma_wait3A_638 = arith.constant 20 : i32
      %dma_wait3A_639 = arith.constant 64 : i32
      %dma_wait3A_640 = tpu.memref_slice %arg11[%dma_wait3A_638, %dma_wait3A_639] : memref<24x128xf32, #tpu.memory_space<vmem>> -> memref<1x64xf32, #tpu.memory_space<vmem>>
      %dma_wait3A_641 = tpu.memref_squeeze %dma_wait3A_640 : memref<1x64xf32, #tpu.memory_space<vmem>> -> memref<64xf32, #tpu.memory_space<vmem>>
      %dma_wait3A_642 = arith.constant 0 : i32
      %dma_wait3A_643 = tpu.memref_slice %arg3[%dma_wait3A_637, %dma_wait3A_642] : memref<24x64xf32, #tpu.memory_space<hbm>> -> memref<1x64xf32, #tpu.memory_space<hbm>>
      %dma_wait3A_644 = tpu.memref_squeeze %dma_wait3A_643 : memref<1x64xf32, #tpu.memory_space<hbm>> -> memref<64xf32, #tpu.memory_space<hbm>>
      %dma_wait3A_645 = arith.constant 64 : i32
      %dma_wait3A_646 = tpu.memref_slice %arg11[%dma_wait3A_638, %dma_wait3A_645] : memref<24x128xf32, #tpu.memory_space<vmem>> -> memref<1x64xf32, #tpu.memory_space<vmem>>
      %dma_wait3A_647 = tpu.memref_squeeze %dma_wait3A_646 : memref<1x64xf32, #tpu.memory_space<vmem>> -> memref<64xf32, #tpu.memory_space<vmem>>
      %dma_wait3A_648 = arith.constant 0 : i32
      %dma_wait3A_649 = tpu.memref_slice %arg3[%dma_wait3A_637, %dma_wait3A_648] : memref<24x64xf32, #tpu.memory_space<hbm>> -> memref<1x64xf32, #tpu.memory_space<hbm>>
      %dma_wait3A_650 = tpu.memref_squeeze %dma_wait3A_649 : memref<1x64xf32, #tpu.memory_space<hbm>> -> memref<64xf32, #tpu.memory_space<hbm>>
      tpu.wait_dma2 semaphore(%arg14 : memref<!tpu.dma_semaphore, #tpu.memory_space<semaphore_mem>>) src(%dma_wait3A_650 : memref<64xf32, #tpu.memory_space<hbm>>) dst(%dma_wait3A_647 : memref<64xf32, #tpu.memory_space<vmem>>)
      %dma_wait3A_651 = arith.constant 21 : i32
      %dma_wait3A_652 = arith.constant 21 : i32
      %dma_wait3A_653 = arith.constant 64 : i32
      %dma_wait3A_654 = tpu.memref_slice %arg11[%dma_wait3A_652, %dma_wait3A_653] : memref<24x128xf32, #tpu.memory_space<vmem>> -> memref<1x64xf32, #tpu.memory_space<vmem>>
      %dma_wait3A_655 = tpu.memref_squeeze %dma_wait3A_654 : memref<1x64xf32, #tpu.memory_space<vmem>> -> memref<64xf32, #tpu.memory_space<vmem>>
      %dma_wait3A_656 = arith.constant 0 : i32
      %dma_wait3A_657 = tpu.memref_slice %arg3[%dma_wait3A_651, %dma_wait3A_656] : memref<24x64xf32, #tpu.memory_space<hbm>> -> memref<1x64xf32, #tpu.memory_space<hbm>>
      %dma_wait3A_658 = tpu.memref_squeeze %dma_wait3A_657 : memref<1x64xf32, #tpu.memory_space<hbm>> -> memref<64xf32, #tpu.memory_space<hbm>>
      %dma_wait3A_659 = arith.constant 64 : i32
      %dma_wait3A_660 = tpu.memref_slice %arg11[%dma_wait3A_652, %dma_wait3A_659] : memref<24x128xf32, #tpu.memory_space<vmem>> -> memref<1x64xf32, #tpu.memory_space<vmem>>
      %dma_wait3A_661 = tpu.memref_squeeze %dma_wait3A_660 : memref<1x64xf32, #tpu.memory_space<vmem>> -> memref<64xf32, #tpu.memory_space<vmem>>
      %dma_wait3A_662 = arith.constant 0 : i32
      %dma_wait3A_663 = tpu.memref_slice %arg3[%dma_wait3A_651, %dma_wait3A_662] : memref<24x64xf32, #tpu.memory_space<hbm>> -> memref<1x64xf32, #tpu.memory_space<hbm>>
      %dma_wait3A_664 = tpu.memref_squeeze %dma_wait3A_663 : memref<1x64xf32, #tpu.memory_space<hbm>> -> memref<64xf32, #tpu.memory_space<hbm>>
      tpu.wait_dma2 semaphore(%arg14 : memref<!tpu.dma_semaphore, #tpu.memory_space<semaphore_mem>>) src(%dma_wait3A_664 : memref<64xf32, #tpu.memory_space<hbm>>) dst(%dma_wait3A_661 : memref<64xf32, #tpu.memory_space<vmem>>)
      %dma_wait3A_665 = arith.constant 22 : i32
      %dma_wait3A_666 = arith.constant 22 : i32
      %dma_wait3A_667 = arith.constant 64 : i32
      %dma_wait3A_668 = tpu.memref_slice %arg11[%dma_wait3A_666, %dma_wait3A_667] : memref<24x128xf32, #tpu.memory_space<vmem>> -> memref<1x64xf32, #tpu.memory_space<vmem>>
      %dma_wait3A_669 = tpu.memref_squeeze %dma_wait3A_668 : memref<1x64xf32, #tpu.memory_space<vmem>> -> memref<64xf32, #tpu.memory_space<vmem>>
      %dma_wait3A_670 = arith.constant 0 : i32
      %dma_wait3A_671 = tpu.memref_slice %arg3[%dma_wait3A_665, %dma_wait3A_670] : memref<24x64xf32, #tpu.memory_space<hbm>> -> memref<1x64xf32, #tpu.memory_space<hbm>>
      %dma_wait3A_672 = tpu.memref_squeeze %dma_wait3A_671 : memref<1x64xf32, #tpu.memory_space<hbm>> -> memref<64xf32, #tpu.memory_space<hbm>>
      %dma_wait3A_673 = arith.constant 64 : i32
      %dma_wait3A_674 = tpu.memref_slice %arg11[%dma_wait3A_666, %dma_wait3A_673] : memref<24x128xf32, #tpu.memory_space<vmem>> -> memref<1x64xf32, #tpu.memory_space<vmem>>
      %dma_wait3A_675 = tpu.memref_squeeze %dma_wait3A_674 : memref<1x64xf32, #tpu.memory_space<vmem>> -> memref<64xf32, #tpu.memory_space<vmem>>
      %dma_wait3A_676 = arith.constant 0 : i32
      %dma_wait3A_677 = tpu.memref_slice %arg3[%dma_wait3A_665, %dma_wait3A_676] : memref<24x64xf32, #tpu.memory_space<hbm>> -> memref<1x64xf32, #tpu.memory_space<hbm>>
      %dma_wait3A_678 = tpu.memref_squeeze %dma_wait3A_677 : memref<1x64xf32, #tpu.memory_space<hbm>> -> memref<64xf32, #tpu.memory_space<hbm>>
      tpu.wait_dma2 semaphore(%arg14 : memref<!tpu.dma_semaphore, #tpu.memory_space<semaphore_mem>>) src(%dma_wait3A_678 : memref<64xf32, #tpu.memory_space<hbm>>) dst(%dma_wait3A_675 : memref<64xf32, #tpu.memory_space<vmem>>)
      %dma_wait3A_679 = arith.constant 23 : i32
      %dma_wait3A_680 = arith.constant 23 : i32
      %dma_wait3A_681 = arith.constant 64 : i32
      %dma_wait3A_682 = tpu.memref_slice %arg11[%dma_wait3A_680, %dma_wait3A_681] : memref<24x128xf32, #tpu.memory_space<vmem>> -> memref<1x64xf32, #tpu.memory_space<vmem>>
      %dma_wait3A_683 = tpu.memref_squeeze %dma_wait3A_682 : memref<1x64xf32, #tpu.memory_space<vmem>> -> memref<64xf32, #tpu.memory_space<vmem>>
      %dma_wait3A_684 = arith.constant 0 : i32
      %dma_wait3A_685 = tpu.memref_slice %arg3[%dma_wait3A_679, %dma_wait3A_684] : memref<24x64xf32, #tpu.memory_space<hbm>> -> memref<1x64xf32, #tpu.memory_space<hbm>>
      %dma_wait3A_686 = tpu.memref_squeeze %dma_wait3A_685 : memref<1x64xf32, #tpu.memory_space<hbm>> -> memref<64xf32, #tpu.memory_space<hbm>>
      %dma_wait3A_687 = arith.constant 64 : i32
      %dma_wait3A_688 = tpu.memref_slice %arg11[%dma_wait3A_680, %dma_wait3A_687] : memref<24x128xf32, #tpu.memory_space<vmem>> -> memref<1x64xf32, #tpu.memory_space<vmem>>
      %dma_wait3A_689 = tpu.memref_squeeze %dma_wait3A_688 : memref<1x64xf32, #tpu.memory_space<vmem>> -> memref<64xf32, #tpu.memory_space<vmem>>
      %dma_wait3A_690 = arith.constant 0 : i32
      %dma_wait3A_691 = tpu.memref_slice %arg3[%dma_wait3A_679, %dma_wait3A_690] : memref<24x64xf32, #tpu.memory_space<hbm>> -> memref<1x64xf32, #tpu.memory_space<hbm>>
      %dma_wait3A_692 = tpu.memref_squeeze %dma_wait3A_691 : memref<1x64xf32, #tpu.memory_space<hbm>> -> memref<64xf32, #tpu.memory_space<hbm>>
      tpu.wait_dma2 semaphore(%arg14 : memref<!tpu.dma_semaphore, #tpu.memory_space<semaphore_mem>>) src(%dma_wait3A_692 : memref<64xf32, #tpu.memory_space<hbm>>) dst(%dma_wait3A_689 : memref<64xf32, #tpu.memory_space<vmem>>)
      %dma_wait3A_693 = arith.constant 0 : i32
      %dma_wait3A_694 = arith.constant 0 : i32
      %dma_wait3A_695 = tpu.memref_slice %arg11[%dma_wait3A_693, %dma_wait3A_694] : memref<24x128xf32, #tpu.memory_space<vmem>> -> memref<1x64xf32, #tpu.memory_space<vmem>>
      %dma_wait3A_696 = tpu.memref_squeeze %dma_wait3A_695 : memref<1x64xf32, #tpu.memory_space<vmem>> -> memref<64xf32, #tpu.memory_space<vmem>>
      %dma_wait3A_697 = arith.constant 0 : i32
      %dma_wait3A_698 = tpu.memref_slice %arg2[%arg1, %dma_wait3A_697] : memref<12x64xf32, #tpu.memory_space<hbm>> -> memref<1x64xf32, #tpu.memory_space<hbm>>
      %dma_wait3A_699 = tpu.memref_squeeze %dma_wait3A_698 : memref<1x64xf32, #tpu.memory_space<hbm>> -> memref<64xf32, #tpu.memory_space<hbm>>
      %dma_wait3A_700 = arith.constant 0 : i32
      %dma_wait3A_701 = tpu.memref_slice %arg11[%dma_wait3A_693, %dma_wait3A_700] : memref<24x128xf32, #tpu.memory_space<vmem>> -> memref<1x64xf32, #tpu.memory_space<vmem>>
      %dma_wait3A_702 = tpu.memref_squeeze %dma_wait3A_701 : memref<1x64xf32, #tpu.memory_space<vmem>> -> memref<64xf32, #tpu.memory_space<vmem>>
      %dma_wait3A_703 = arith.constant 0 : i32
      %dma_wait3A_704 = tpu.memref_slice %arg2[%arg1, %dma_wait3A_703] : memref<12x64xf32, #tpu.memory_space<hbm>> -> memref<1x64xf32, #tpu.memory_space<hbm>>
      %dma_wait3A_705 = tpu.memref_squeeze %dma_wait3A_704 : memref<1x64xf32, #tpu.memory_space<hbm>> -> memref<64xf32, #tpu.memory_space<hbm>>
      tpu.wait_dma2 semaphore(%arg14 : memref<!tpu.dma_semaphore, #tpu.memory_space<semaphore_mem>>) src(%dma_wait3A_705 : memref<64xf32, #tpu.memory_space<hbm>>) dst(%dma_wait3A_702 : memref<64xf32, #tpu.memory_space<vmem>>)
      %get3A = arith.constant 0 : i32
      %get3A_706 = arith.index_cast %get3A : i32 to index
      %get3A_707 = arith.constant 0 : index
      %get3A_708 = tpu.vector_load %arg11[%get3A_706, %get3A_707] {strides = array<i32>} : memref<24x128xf32, #tpu.memory_space<vmem>>, vector<1x16xf32>,
      %get3A_709 = vector.shape_cast %get3A_708 : vector<1x16xf32> to vector<16xf32>
      %scan3A_710 = arith.constant 1 : i32
      %scan3A_711 = arith.constant 23 : i32
      %scan3A_712 = arith.addi %scan3A_710, %scan3A_711 : i32
      %scan3A_713 = arith.constant 1 : i32
      scf.for %scan3A_755 = %scan3A_710 to %scan3A_712 step %scan3A_713  : i32 {
        %swap3A = arith.index_cast %scan3A_755 : i32 to index
        %swap3A_756 = arith.constant 0 : index
        %swap3A_757 = tpu.vector_load %arg11[%swap3A, %swap3A_756] {strides = array<i32>} : memref<24x128xf32, #tpu.memory_space<vmem>>, vector<1x16xf32>,
        %swap3A_758 = vector.shape_cast %swap3A_757 : vector<1x16xf32> to vector<16xf32>
        %swap3A_759 = vector.shape_cast %get3A_709 : vector<16xf32> to vector<1x16xf32>
        tpu.vector_store %arg11[%swap3A, %swap3A_756], %swap3A_759 {strides = array<i32>} : memref<24x128xf32, #tpu.memory_space<vmem>>, vector<1x16xf32>,
      }
      %scan3A_714 = arith.constant 23 : i32
      %get3A_715 = arith.constant 0 : i32
      %get3A_716 = arith.index_cast %get3A_715 : i32 to index
      %get3A_717 = arith.constant 16 : index
      %get3A_718 = tpu.vector_load %arg11[%get3A_716, %get3A_717] {strides = array<i32>} : memref<24x128xf32, #tpu.memory_space<vmem>>, vector<1x16xf32>,
      %get3A_719 = vector.shape_cast %get3A_718 : vector<1x16xf32> to vector<16xf32>
      %scan3A_720 = arith.constant 1 : i32
      %scan3A_721 = arith.constant 23 : i32
      %scan3A_722 = arith.addi %scan3A_720, %scan3A_721 : i32
      %scan3A_723 = arith.constant 1 : i32
      scf.for %scan3A_755 = %scan3A_720 to %scan3A_722 step %scan3A_723  : i32 {
        %swap3A = arith.index_cast %scan3A_755 : i32 to index
        %swap3A_756 = arith.constant 16 : index
        %swap3A_757 = tpu.vector_load %arg11[%swap3A, %swap3A_756] {strides = array<i32>} : memref<24x128xf32, #tpu.memory_space<vmem>>, vector<1x16xf32>,
        %swap3A_758 = vector.shape_cast %swap3A_757 : vector<1x16xf32> to vector<16xf32>
        %swap3A_759 = vector.shape_cast %get3A_719 : vector<16xf32> to vector<1x16xf32>
        tpu.vector_store %arg11[%swap3A, %swap3A_756], %swap3A_759 {strides = array<i32>} : memref<24x128xf32, #tpu.memory_space<vmem>>, vector<1x16xf32>,
      }
      %scan3A_724 = arith.constant 23 : i32
      %get3A_725 = arith.constant 0 : i32
      %get3A_726 = arith.index_cast %get3A_725 : i32 to index
      %get3A_727 = arith.constant 32 : index
      %get3A_728 = tpu.vector_load %arg11[%get3A_726, %get3A_727] {strides = array<i32>} : memref<24x128xf32, #tpu.memory_space<vmem>>, vector<1x16xf32>,
      %get3A_729 = vector.shape_cast %get3A_728 : vector<1x16xf32> to vector<16xf32>
      %scan3A_730 = arith.constant 1 : i32
      %scan3A_731 = arith.constant 23 : i32
      %scan3A_732 = arith.addi %scan3A_730, %scan3A_731 : i32
      %scan3A_733 = arith.constant 1 : i32
      scf.for %scan3A_755 = %scan3A_730 to %scan3A_732 step %scan3A_733  : i32 {
        %swap3A = arith.index_cast %scan3A_755 : i32 to index
        %swap3A_756 = arith.constant 32 : index
        %swap3A_757 = tpu.vector_load %arg11[%swap3A, %swap3A_756] {strides = array<i32>} : memref<24x128xf32, #tpu.memory_space<vmem>>, vector<1x16xf32>,
        %swap3A_758 = vector.shape_cast %swap3A_757 : vector<1x16xf32> to vector<16xf32>
        %swap3A_759 = vector.shape_cast %get3A_729 : vector<16xf32> to vector<1x16xf32>
        tpu.vector_store %arg11[%swap3A, %swap3A_756], %swap3A_759 {strides = array<i32>} : memref<24x128xf32, #tpu.memory_space<vmem>>, vector<1x16xf32>,
      }
      %scan3A_734 = arith.constant 23 : i32
      %get3A_735 = arith.constant 0 : i32
      %get3A_736 = arith.index_cast %get3A_735 : i32 to index
      %get3A_737 = arith.constant 48 : index
      %get3A_738 = tpu.vector_load %arg11[%get3A_736, %get3A_737] {strides = array<i32>} : memref<24x128xf32, #tpu.memory_space<vmem>>, vector<1x16xf32>,
      %get3A_739 = vector.shape_cast %get3A_738 : vector<1x16xf32> to vector<16xf32>
      %scan3A_740 = arith.constant 1 : i32
      %scan3A_741 = arith.constant 23 : i32
      %scan3A_742 = arith.addi %scan3A_740, %scan3A_741 : i32
      %scan3A_743 = arith.constant 1 : i32
      scf.for %scan3A_755 = %scan3A_740 to %scan3A_742 step %scan3A_743  : i32 {
        %swap3A = arith.index_cast %scan3A_755 : i32 to index
        %swap3A_756 = arith.constant 48 : index
        %swap3A_757 = tpu.vector_load %arg11[%swap3A, %swap3A_756] {strides = array<i32>} : memref<24x128xf32, #tpu.memory_space<vmem>>, vector<1x16xf32>,
        %swap3A_758 = vector.shape_cast %swap3A_757 : vector<1x16xf32> to vector<16xf32>
        %swap3A_759 = vector.shape_cast %get3A_739 : vector<16xf32> to vector<1x16xf32>
        tpu.vector_store %arg11[%swap3A, %swap3A_756], %swap3A_759 {strides = array<i32>} : memref<24x128xf32, #tpu.memory_space<vmem>>, vector<1x16xf32>,
      }
      %scan3A_744 = arith.constant 23 : i32
      %mul3A_745 = arith.constant 24 : i32
      %mul3A_746 = arith.muli %arg1, %mul3A_745 : i32
      %dma_start3A_747 = arith.constant 0 : i32
      %dma_start3A_748 = tpu.memref_slice %arg12[%mul3A_746, %dma_start3A_747] : memref<288x128xf32, #tpu.memory_space<vmem_shared>> -> memref<24x128xf32, #tpu.memory_space<vmem_shared>>
      %dma_start3A_749 = arith.constant 0 : i32
      %dma_start3A_750 = tpu.memref_slice %arg12[%mul3A_746, %dma_start3A_749] : memref<288x128xf32, #tpu.memory_space<vmem_shared>> -> memref<24x128xf32, #tpu.memory_space<vmem_shared>>
      tpu.enqueue_dma source(%arg11 : memref<24x128xf32, #tpu.memory_space<vmem>>) target(%dma_start3A_750 : memref<24x128xf32, #tpu.memory_space<vmem_shared>>) target_semaphore(%arg14 : memref<!tpu.dma_semaphore, #tpu.memory_space<semaphore_mem>>)
      %dma_wait3A_751 = arith.constant 0 : i32
      %dma_wait3A_752 = tpu.memref_slice %arg12[%mul3A_746, %dma_wait3A_751] : memref<288x128xf32, #tpu.memory_space<vmem_shared>> -> memref<24x128xf32, #tpu.memory_space<vmem_shared>>
      %dma_wait3A_753 = arith.constant 0 : i32
      %dma_wait3A_754 = tpu.memref_slice %arg12[%mul3A_746, %dma_wait3A_753] : memref<288x128xf32, #tpu.memory_space<vmem_shared>> -> memref<24x128xf32, #tpu.memory_space<vmem_shared>>
      tpu.wait_dma2 semaphore(%arg14 : memref<!tpu.dma_semaphore, #tpu.memory_space<semaphore_mem>>) src(%arg11 : memref<24x128xf32, #tpu.memory_space<vmem>>) dst(%dma_wait3A_754 : memref<24x128xf32, #tpu.memory_space<vmem_shared>>)
    } else {
    }
    %barrier3A = arith.constant 0 : index
    tpu.barrier barrier_id(%barrier3A)
    %dma_start3A_21 = arith.constant 0 : i32
    %dma_start3A_22 = arith.constant 0 : i32
    %dma_start3A_23 = arith.constant 0 : i32
    %dma_start3A_24 = tpu.memref_slice %arg10[%dma_start3A_22, %dma_start3A_23] : memref<512x128xf32, #tpu.memory_space<vmem>> -> memref<64x128xf32, #tpu.memory_space<vmem>>
    %dma_start3A_25 = arith.constant 0 : i32
    %dma_start3A_26 = tpu.memref_slice %arg9[%dma_start3A_21, %dma_start3A_25] : memref<8x64xi32, #tpu.memory_space<vmem>> -> memref<1x64xi32, #tpu.memory_space<vmem>>
    %dma_start3A_27 = tpu.memref_squeeze %dma_start3A_26 : memref<1x64xi32, #tpu.memory_space<vmem>> -> memref<64xi32, #tpu.memory_space<vmem>>
    %dma_start3A_28 = arith.constant 0 : i32
    %dma_start3A_29 = arith.constant 0 : i32
    %dma_start3A_30 = tpu.memref_slice %arg12[%dma_start3A_28, %dma_start3A_29] : memref<288x128xf32, #tpu.memory_space<vmem_shared>> -> memref<288x128xf32, #tpu.memory_space<vmem_shared>>
    tpu.enqueue_indirect_dma source(%dma_start3A_30 : memref<288x128xf32, #tpu.memory_space<vmem_shared>>) target(%dma_start3A_24 : memref<64x128xf32, #tpu.memory_space<vmem>>) offsets(%dma_start3A_27 : memref<64xi32, #tpu.memory_space<vmem>>) semaphore(%arg15 : memref<!tpu.dma_semaphore, #tpu.memory_space<semaphore_mem>>)
    %dma_start3A_31 = arith.constant 1 : i32
    %dma_start3A_32 = arith.constant 64 : i32
    %dma_start3A_33 = arith.constant 0 : i32
    %dma_start3A_34 = tpu.memref_slice %arg10[%dma_start3A_32, %dma_start3A_33] : memref<512x128xf32, #tpu.memory_space<vmem>> -> memref<64x128xf32, #tpu.memory_space<vmem>>
    %dma_start3A_35 = arith.constant 0 : i32
    %dma_start3A_36 = tpu.memref_slice %arg9[%dma_start3A_31, %dma_start3A_35] : memref<8x64xi32, #tpu.memory_space<vmem>> -> memref<1x64xi32, #tpu.memory_space<vmem>>
    %dma_start3A_37 = tpu.memref_squeeze %dma_start3A_36 : memref<1x64xi32, #tpu.memory_space<vmem>> -> memref<64xi32, #tpu.memory_space<vmem>>
    %dma_start3A_38 = arith.constant 0 : i32
    %dma_start3A_39 = arith.constant 0 : i32
    %dma_start3A_40 = tpu.memref_slice %arg12[%dma_start3A_38, %dma_start3A_39] : memref<288x128xf32, #tpu.memory_space<vmem_shared>> -> memref<288x128xf32, #tpu.memory_space<vmem_shared>>
    tpu.enqueue_indirect_dma source(%dma_start3A_40 : memref<288x128xf32, #tpu.memory_space<vmem_shared>>) target(%dma_start3A_34 : memref<64x128xf32, #tpu.memory_space<vmem>>) offsets(%dma_start3A_37 : memref<64xi32, #tpu.memory_space<vmem>>) semaphore(%arg15 : memref<!tpu.dma_semaphore, #tpu.memory_space<semaphore_mem>>)
    %dma_start3A_41 = arith.constant 2 : i32
    %dma_start3A_42 = arith.constant 128 : i32
    %dma_start3A_43 = arith.constant 0 : i32
    %dma_start3A_44 = tpu.memref_slice %arg10[%dma_start3A_42, %dma_start3A_43] : memref<512x128xf32, #tpu.memory_space<vmem>> -> memref<64x128xf32, #tpu.memory_space<vmem>>
    %dma_start3A_45 = arith.constant 0 : i32
    %dma_start3A_46 = tpu.memref_slice %arg9[%dma_start3A_41, %dma_start3A_45] : memref<8x64xi32, #tpu.memory_space<vmem>> -> memref<1x64xi32, #tpu.memory_space<vmem>>
    %dma_start3A_47 = tpu.memref_squeeze %dma_start3A_46 : memref<1x64xi32, #tpu.memory_space<vmem>> -> memref<64xi32, #tpu.memory_space<vmem>>
    %dma_start3A_48 = arith.constant 0 : i32
    %dma_start3A_49 = arith.constant 0 : i32
    %dma_start3A_50 = tpu.memref_slice %arg12[%dma_start3A_48, %dma_start3A_49] : memref<288x128xf32, #tpu.memory_space<vmem_shared>> -> memref<288x128xf32, #tpu.memory_space<vmem_shared>>
    tpu.enqueue_indirect_dma source(%dma_start3A_50 : memref<288x128xf32, #tpu.memory_space<vmem_shared>>) target(%dma_start3A_44 : memref<64x128xf32, #tpu.memory_space<vmem>>) offsets(%dma_start3A_47 : memref<64xi32, #tpu.memory_space<vmem>>) semaphore(%arg15 : memref<!tpu.dma_semaphore, #tpu.memory_space<semaphore_mem>>)
    %dma_start3A_51 = arith.constant 3 : i32
    %dma_start3A_52 = arith.constant 192 : i32
    %dma_start3A_53 = arith.constant 0 : i32
    %dma_start3A_54 = tpu.memref_slice %arg10[%dma_start3A_52, %dma_start3A_53] : memref<512x128xf32, #tpu.memory_space<vmem>> -> memref<64x128xf32, #tpu.memory_space<vmem>>
    %dma_start3A_55 = arith.constant 0 : i32
    %dma_start3A_56 = tpu.memref_slice %arg9[%dma_start3A_51, %dma_start3A_55] : memref<8x64xi32, #tpu.memory_space<vmem>> -> memref<1x64xi32, #tpu.memory_space<vmem>>
    %dma_start3A_57 = tpu.memref_squeeze %dma_start3A_56 : memref<1x64xi32, #tpu.memory_space<vmem>> -> memref<64xi32, #tpu.memory_space<vmem>>
    %dma_start3A_58 = arith.constant 0 : i32
    %dma_start3A_59 = arith.constant 0 : i32
    %dma_start3A_60 = tpu.memref_slice %arg12[%dma_start3A_58, %dma_start3A_59] : memref<288x128xf32, #tpu.memory_space<vmem_shared>> -> memref<288x128xf32, #tpu.memory_space<vmem_shared>>
    tpu.enqueue_indirect_dma source(%dma_start3A_60 : memref<288x128xf32, #tpu.memory_space<vmem_shared>>) target(%dma_start3A_54 : memref<64x128xf32, #tpu.memory_space<vmem>>) offsets(%dma_start3A_57 : memref<64xi32, #tpu.memory_space<vmem>>) semaphore(%arg15 : memref<!tpu.dma_semaphore, #tpu.memory_space<semaphore_mem>>)
    %dma_start3A_61 = arith.constant 4 : i32
    %dma_start3A_62 = arith.constant 256 : i32
    %dma_start3A_63 = arith.constant 0 : i32
    %dma_start3A_64 = tpu.memref_slice %arg10[%dma_start3A_62, %dma_start3A_63] : memref<512x128xf32, #tpu.memory_space<vmem>> -> memref<64x128xf32, #tpu.memory_space<vmem>>
    %dma_start3A_65 = arith.constant 0 : i32
    %dma_start3A_66 = tpu.memref_slice %arg9[%dma_start3A_61, %dma_start3A_65] : memref<8x64xi32, #tpu.memory_space<vmem>> -> memref<1x64xi32, #tpu.memory_space<vmem>>
    %dma_start3A_67 = tpu.memref_squeeze %dma_start3A_66 : memref<1x64xi32, #tpu.memory_space<vmem>> -> memref<64xi32, #tpu.memory_space<vmem>>
    %dma_start3A_68 = arith.constant 0 : i32
    %dma_start3A_69 = arith.constant 0 : i32
    %dma_start3A_70 = tpu.memref_slice %arg12[%dma_start3A_68, %dma_start3A_69] : memref<288x128xf32, #tpu.memory_space<vmem_shared>> -> memref<288x128xf32, #tpu.memory_space<vmem_shared>>
    tpu.enqueue_indirect_dma source(%dma_start3A_70 : memref<288x128xf32, #tpu.memory_space<vmem_shared>>) target(%dma_start3A_64 : memref<64x128xf32, #tpu.memory_space<vmem>>) offsets(%dma_start3A_67 : memref<64xi32, #tpu.memory_space<vmem>>) semaphore(%arg15 : memref<!tpu.dma_semaphore, #tpu.memory_space<semaphore_mem>>)
    %dma_start3A_71 = arith.constant 5 : i32
    %dma_start3A_72 = arith.constant 320 : i32
    %dma_start3A_73 = arith.constant 0 : i32
    %dma_start3A_74 = tpu.memref_slice %arg10[%dma_start3A_72, %dma_start3A_73] : memref<512x128xf32, #tpu.memory_space<vmem>> -> memref<64x128xf32, #tpu.memory_space<vmem>>
    %dma_start3A_75 = arith.constant 0 : i32
    %dma_start3A_76 = tpu.memref_slice %arg9[%dma_start3A_71, %dma_start3A_75] : memref<8x64xi32, #tpu.memory_space<vmem>> -> memref<1x64xi32, #tpu.memory_space<vmem>>
    %dma_start3A_77 = tpu.memref_squeeze %dma_start3A_76 : memref<1x64xi32, #tpu.memory_space<vmem>> -> memref<64xi32, #tpu.memory_space<vmem>>
    %dma_start3A_78 = arith.constant 0 : i32
    %dma_start3A_79 = arith.constant 0 : i32
    %dma_start3A_80 = tpu.memref_slice %arg12[%dma_start3A_78, %dma_start3A_79] : memref<288x128xf32, #tpu.memory_space<vmem_shared>> -> memref<288x128xf32, #tpu.memory_space<vmem_shared>>
    tpu.enqueue_indirect_dma source(%dma_start3A_80 : memref<288x128xf32, #tpu.memory_space<vmem_shared>>) target(%dma_start3A_74 : memref<64x128xf32, #tpu.memory_space<vmem>>) offsets(%dma_start3A_77 : memref<64xi32, #tpu.memory_space<vmem>>) semaphore(%arg15 : memref<!tpu.dma_semaphore, #tpu.memory_space<semaphore_mem>>)
    %dma_start3A_81 = arith.constant 6 : i32
    %dma_start3A_82 = arith.constant 384 : i32
    %dma_start3A_83 = arith.constant 0 : i32
    %dma_start3A_84 = tpu.memref_slice %arg10[%dma_start3A_82, %dma_start3A_83] : memref<512x128xf32, #tpu.memory_space<vmem>> -> memref<64x128xf32, #tpu.memory_space<vmem>>
    %dma_start3A_85 = arith.constant 0 : i32
    %dma_start3A_86 = tpu.memref_slice %arg9[%dma_start3A_81, %dma_start3A_85] : memref<8x64xi32, #tpu.memory_space<vmem>> -> memref<1x64xi32, #tpu.memory_space<vmem>>
    %dma_start3A_87 = tpu.memref_squeeze %dma_start3A_86 : memref<1x64xi32, #tpu.memory_space<vmem>> -> memref<64xi32, #tpu.memory_space<vmem>>
    %dma_start3A_88 = arith.constant 0 : i32
    %dma_start3A_89 = arith.constant 0 : i32
    %dma_start3A_90 = tpu.memref_slice %arg12[%dma_start3A_88, %dma_start3A_89] : memref<288x128xf32, #tpu.memory_space<vmem_shared>> -> memref<288x128xf32, #tpu.memory_space<vmem_shared>>
    tpu.enqueue_indirect_dma source(%dma_start3A_90 : memref<288x128xf32, #tpu.memory_space<vmem_shared>>) target(%dma_start3A_84 : memref<64x128xf32, #tpu.memory_space<vmem>>) offsets(%dma_start3A_87 : memref<64xi32, #tpu.memory_space<vmem>>) semaphore(%arg15 : memref<!tpu.dma_semaphore, #tpu.memory_space<semaphore_mem>>)
    %dma_start3A_91 = arith.constant 7 : i32
    %dma_start3A_92 = arith.constant 448 : i32
    %dma_start3A_93 = arith.constant 0 : i32
    %dma_start3A_94 = tpu.memref_slice %arg10[%dma_start3A_92, %dma_start3A_93] : memref<512x128xf32, #tpu.memory_space<vmem>> -> memref<64x128xf32, #tpu.memory_space<vmem>>
    %dma_start3A_95 = arith.constant 0 : i32
    %dma_start3A_96 = tpu.memref_slice %arg9[%dma_start3A_91, %dma_start3A_95] : memref<8x64xi32, #tpu.memory_space<vmem>> -> memref<1x64xi32, #tpu.memory_space<vmem>>
    %dma_start3A_97 = tpu.memref_squeeze %dma_start3A_96 : memref<1x64xi32, #tpu.memory_space<vmem>> -> memref<64xi32, #tpu.memory_space<vmem>>
    %dma_start3A_98 = arith.constant 0 : i32
    %dma_start3A_99 = arith.constant 0 : i32
    %dma_start3A_100 = tpu.memref_slice %arg12[%dma_start3A_98, %dma_start3A_99] : memref<288x128xf32, #tpu.memory_space<vmem_shared>> -> memref<288x128xf32, #tpu.memory_space<vmem_shared>>
    tpu.enqueue_indirect_dma source(%dma_start3A_100 : memref<288x128xf32, #tpu.memory_space<vmem_shared>>) target(%dma_start3A_94 : memref<64x128xf32, #tpu.memory_space<vmem>>) offsets(%dma_start3A_97 : memref<64xi32, #tpu.memory_space<vmem>>) semaphore(%arg15 : memref<!tpu.dma_semaphore, #tpu.memory_space<semaphore_mem>>)
    %dma_wait3A_101 = arith.constant 0 : i32
    %dma_wait3A_102 = arith.constant 0 : i32
    %dma_wait3A_103 = arith.constant 0 : i32
    %dma_wait3A_104 = tpu.memref_slice %arg10[%dma_wait3A_102, %dma_wait3A_103] : memref<512x128xf32, #tpu.memory_space<vmem>> -> memref<64x128xf32, #tpu.memory_space<vmem>>
    %dma_wait3A_105 = arith.constant 0 : i32
    %dma_wait3A_106 = tpu.memref_slice %arg9[%dma_wait3A_101, %dma_wait3A_105] : memref<8x64xi32, #tpu.memory_space<vmem>> -> memref<1x64xi32, #tpu.memory_space<vmem>>
    %dma_wait3A_107 = tpu.memref_squeeze %dma_wait3A_106 : memref<1x64xi32, #tpu.memory_space<vmem>> -> memref<64xi32, #tpu.memory_space<vmem>>
    %dma_wait3A_108 = arith.constant 0 : i32
    %dma_wait3A_109 = arith.constant 0 : i32
    %dma_wait3A_110 = tpu.memref_slice %arg12[%dma_wait3A_108, %dma_wait3A_109] : memref<288x128xf32, #tpu.memory_space<vmem_shared>> -> memref<288x128xf32, #tpu.memory_space<vmem_shared>>
    tpu.wait_indirect_dma semaphore(%arg15 : memref<!tpu.dma_semaphore, #tpu.memory_space<semaphore_mem>>) src(%dma_wait3A_110 : memref<288x128xf32, #tpu.memory_space<vmem_shared>>) dst(%dma_wait3A_104 : memref<64x128xf32, #tpu.memory_space<vmem>>)
    %add3A_111 = arith.constant 0 : i32
    %add3A_112 = arith.addi %mul3A_2, %add3A_111 : i32
    %dma_start3A_113 = arith.constant 0 : i32
    %dma_start3A_114 = arith.constant 0 : i32
    %dma_start3A_115 = tpu.memref_slice %arg10[%dma_start3A_113, %dma_start3A_114] : memref<512x128xf32, #tpu.memory_space<vmem>> -> memref<64x128xf32, #tpu.memory_space<vmem>>
    %dma_start3A_116 = arith.constant 0 : i32
    %dma_start3A_117 = tpu.memref_slice %arg6[%add3A_112, %dma_start3A_116] : memref<16384x128xf32, #tpu.memory_space<hbm>> -> memref<64x128xf32, #tpu.memory_space<hbm>>
    %dma_start3A_118 = arith.constant 0 : i32
    %dma_start3A_119 = tpu.memref_slice %arg6[%add3A_112, %dma_start3A_118] : memref<16384x128xf32, #tpu.memory_space<hbm>> -> memref<64x128xf32, #tpu.memory_space<hbm>>
    %dma_start3A_120 = arith.constant 0 : i32
    %dma_start3A_121 = arith.constant 0 : i32
    %dma_start3A_122 = tpu.memref_slice %arg10[%dma_start3A_120, %dma_start3A_121] : memref<512x128xf32, #tpu.memory_space<vmem>> -> memref<64x128xf32, #tpu.memory_space<vmem>>
    tpu.enqueue_dma source(%dma_start3A_122 : memref<64x128xf32, #tpu.memory_space<vmem>>) target(%dma_start3A_119 : memref<64x128xf32, #tpu.memory_space<hbm>>) target_semaphore(%arg16 : memref<!tpu.dma_semaphore, #tpu.memory_space<semaphore_mem>>)
    %dma_wait3A_123 = arith.constant 1 : i32
    %dma_wait3A_124 = arith.constant 64 : i32
    %dma_wait3A_125 = arith.constant 0 : i32
    %dma_wait3A_126 = tpu.memref_slice %arg10[%dma_wait3A_124, %dma_wait3A_125] : memref<512x128xf32, #tpu.memory_space<vmem>> -> memref<64x128xf32, #tpu.memory_space<vmem>>
    %dma_wait3A_127 = arith.constant 0 : i32
    %dma_wait3A_128 = tpu.memref_slice %arg9[%dma_wait3A_123, %dma_wait3A_127] : memref<8x64xi32, #tpu.memory_space<vmem>> -> memref<1x64xi32, #tpu.memory_space<vmem>>
    %dma_wait3A_129 = tpu.memref_squeeze %dma_wait3A_128 : memref<1x64xi32, #tpu.memory_space<vmem>> -> memref<64xi32, #tpu.memory_space<vmem>>
    %dma_wait3A_130 = arith.constant 0 : i32
    %dma_wait3A_131 = arith.constant 0 : i32
    %dma_wait3A_132 = tpu.memref_slice %arg12[%dma_wait3A_130, %dma_wait3A_131] : memref<288x128xf32, #tpu.memory_space<vmem_shared>> -> memref<288x128xf32, #tpu.memory_space<vmem_shared>>
    tpu.wait_indirect_dma semaphore(%arg15 : memref<!tpu.dma_semaphore, #tpu.memory_space<semaphore_mem>>) src(%dma_wait3A_132 : memref<288x128xf32, #tpu.memory_space<vmem_shared>>) dst(%dma_wait3A_126 : memref<64x128xf32, #tpu.memory_space<vmem>>)
    %add3A_133 = arith.constant 64 : i32
    %add3A_134 = arith.addi %mul3A_2, %add3A_133 : i32
    %dma_start3A_135 = arith.constant 64 : i32
    %dma_start3A_136 = arith.constant 0 : i32
    %dma_start3A_137 = tpu.memref_slice %arg10[%dma_start3A_135, %dma_start3A_136] : memref<512x128xf32, #tpu.memory_space<vmem>> -> memref<64x128xf32, #tpu.memory_space<vmem>>
    %dma_start3A_138 = arith.constant 0 : i32
    %dma_start3A_139 = tpu.memref_slice %arg6[%add3A_134, %dma_start3A_138] : memref<16384x128xf32, #tpu.memory_space<hbm>> -> memref<64x128xf32, #tpu.memory_space<hbm>>
    %dma_start3A_140 = arith.constant 0 : i32
    %dma_start3A_141 = tpu.memref_slice %arg6[%add3A_134, %dma_start3A_140] : memref<16384x128xf32, #tpu.memory_space<hbm>> -> memref<64x128xf32, #tpu.memory_space<hbm>>
    %dma_start3A_142 = arith.constant 64 : i32
    %dma_start3A_143 = arith.constant 0 : i32
    %dma_start3A_144 = tpu.memref_slice %arg10[%dma_start3A_142, %dma_start3A_143] : memref<512x128xf32, #tpu.memory_space<vmem>> -> memref<64x128xf32, #tpu.memory_space<vmem>>
    tpu.enqueue_dma source(%dma_start3A_144 : memref<64x128xf32, #tpu.memory_space<vmem>>) target(%dma_start3A_141 : memref<64x128xf32, #tpu.memory_space<hbm>>) target_semaphore(%arg16 : memref<!tpu.dma_semaphore, #tpu.memory_space<semaphore_mem>>)
    %dma_wait3A_145 = arith.constant 2 : i32
    %dma_wait3A_146 = arith.constant 128 : i32
    %dma_wait3A_147 = arith.constant 0 : i32
    %dma_wait3A_148 = tpu.memref_slice %arg10[%dma_wait3A_146, %dma_wait3A_147] : memref<512x128xf32, #tpu.memory_space<vmem>> -> memref<64x128xf32, #tpu.memory_space<vmem>>
    %dma_wait3A_149 = arith.constant 0 : i32
    %dma_wait3A_150 = tpu.memref_slice %arg9[%dma_wait3A_145, %dma_wait3A_149] : memref<8x64xi32, #tpu.memory_space<vmem>> -> memref<1x64xi32, #tpu.memory_space<vmem>>
    %dma_wait3A_151 = tpu.memref_squeeze %dma_wait3A_150 : memref<1x64xi32, #tpu.memory_space<vmem>> -> memref<64xi32, #tpu.memory_space<vmem>>
    %dma_wait3A_152 = arith.constant 0 : i32
    %dma_wait3A_153 = arith.constant 0 : i32
    %dma_wait3A_154 = tpu.memref_slice %arg12[%dma_wait3A_152, %dma_wait3A_153] : memref<288x128xf32, #tpu.memory_space<vmem_shared>> -> memref<288x128xf32, #tpu.memory_space<vmem_shared>>
    tpu.wait_indirect_dma semaphore(%arg15 : memref<!tpu.dma_semaphore, #tpu.memory_space<semaphore_mem>>) src(%dma_wait3A_154 : memref<288x128xf32, #tpu.memory_space<vmem_shared>>) dst(%dma_wait3A_148 : memref<64x128xf32, #tpu.memory_space<vmem>>)
    %add3A_155 = arith.constant 128 : i32
    %add3A_156 = arith.addi %mul3A_2, %add3A_155 : i32
    %dma_start3A_157 = arith.constant 128 : i32
    %dma_start3A_158 = arith.constant 0 : i32
    %dma_start3A_159 = tpu.memref_slice %arg10[%dma_start3A_157, %dma_start3A_158] : memref<512x128xf32, #tpu.memory_space<vmem>> -> memref<64x128xf32, #tpu.memory_space<vmem>>
    %dma_start3A_160 = arith.constant 0 : i32
    %dma_start3A_161 = tpu.memref_slice %arg6[%add3A_156, %dma_start3A_160] : memref<16384x128xf32, #tpu.memory_space<hbm>> -> memref<64x128xf32, #tpu.memory_space<hbm>>
    %dma_start3A_162 = arith.constant 0 : i32
    %dma_start3A_163 = tpu.memref_slice %arg6[%add3A_156, %dma_start3A_162] : memref<16384x128xf32, #tpu.memory_space<hbm>> -> memref<64x128xf32, #tpu.memory_space<hbm>>
    %dma_start3A_164 = arith.constant 128 : i32
    %dma_start3A_165 = arith.constant 0 : i32
    %dma_start3A_166 = tpu.memref_slice %arg10[%dma_start3A_164, %dma_start3A_165] : memref<512x128xf32, #tpu.memory_space<vmem>> -> memref<64x128xf32, #tpu.memory_space<vmem>>
    tpu.enqueue_dma source(%dma_start3A_166 : memref<64x128xf32, #tpu.memory_space<vmem>>) target(%dma_start3A_163 : memref<64x128xf32, #tpu.memory_space<hbm>>) target_semaphore(%arg16 : memref<!tpu.dma_semaphore, #tpu.memory_space<semaphore_mem>>)
    %dma_wait3A_167 = arith.constant 3 : i32
    %dma_wait3A_168 = arith.constant 192 : i32
    %dma_wait3A_169 = arith.constant 0 : i32
    %dma_wait3A_170 = tpu.memref_slice %arg10[%dma_wait3A_168, %dma_wait3A_169] : memref<512x128xf32, #tpu.memory_space<vmem>> -> memref<64x128xf32, #tpu.memory_space<vmem>>
    %dma_wait3A_171 = arith.constant 0 : i32
    %dma_wait3A_172 = tpu.memref_slice %arg9[%dma_wait3A_167, %dma_wait3A_171] : memref<8x64xi32, #tpu.memory_space<vmem>> -> memref<1x64xi32, #tpu.memory_space<vmem>>
    %dma_wait3A_173 = tpu.memref_squeeze %dma_wait3A_172 : memref<1x64xi32, #tpu.memory_space<vmem>> -> memref<64xi32, #tpu.memory_space<vmem>>
    %dma_wait3A_174 = arith.constant 0 : i32
    %dma_wait3A_175 = arith.constant 0 : i32
    %dma_wait3A_176 = tpu.memref_slice %arg12[%dma_wait3A_174, %dma_wait3A_175] : memref<288x128xf32, #tpu.memory_space<vmem_shared>> -> memref<288x128xf32, #tpu.memory_space<vmem_shared>>
    tpu.wait_indirect_dma semaphore(%arg15 : memref<!tpu.dma_semaphore, #tpu.memory_space<semaphore_mem>>) src(%dma_wait3A_176 : memref<288x128xf32, #tpu.memory_space<vmem_shared>>) dst(%dma_wait3A_170 : memref<64x128xf32, #tpu.memory_space<vmem>>)
    %add3A_177 = arith.constant 192 : i32
    %add3A_178 = arith.addi %mul3A_2, %add3A_177 : i32
    %dma_start3A_179 = arith.constant 192 : i32
    %dma_start3A_180 = arith.constant 0 : i32
    %dma_start3A_181 = tpu.memref_slice %arg10[%dma_start3A_179, %dma_start3A_180] : memref<512x128xf32, #tpu.memory_space<vmem>> -> memref<64x128xf32, #tpu.memory_space<vmem>>
    %dma_start3A_182 = arith.constant 0 : i32
    %dma_start3A_183 = tpu.memref_slice %arg6[%add3A_178, %dma_start3A_182] : memref<16384x128xf32, #tpu.memory_space<hbm>> -> memref<64x128xf32, #tpu.memory_space<hbm>>
    %dma_start3A_184 = arith.constant 0 : i32
    %dma_start3A_185 = tpu.memref_slice %arg6[%add3A_178, %dma_start3A_184] : memref<16384x128xf32, #tpu.memory_space<hbm>> -> memref<64x128xf32, #tpu.memory_space<hbm>>
    %dma_start3A_186 = arith.constant 192 : i32
    %dma_start3A_187 = arith.constant 0 : i32
    %dma_start3A_188 = tpu.memref_slice %arg10[%dma_start3A_186, %dma_start3A_187] : memref<512x128xf32, #tpu.memory_space<vmem>> -> memref<64x128xf32, #tpu.memory_space<vmem>>
    tpu.enqueue_dma source(%dma_start3A_188 : memref<64x128xf32, #tpu.memory_space<vmem>>) target(%dma_start3A_185 : memref<64x128xf32, #tpu.memory_space<hbm>>) target_semaphore(%arg16 : memref<!tpu.dma_semaphore, #tpu.memory_space<semaphore_mem>>)
    %dma_wait3A_189 = arith.constant 4 : i32
    %dma_wait3A_190 = arith.constant 256 : i32
    %dma_wait3A_191 = arith.constant 0 : i32
    %dma_wait3A_192 = tpu.memref_slice %arg10[%dma_wait3A_190, %dma_wait3A_191] : memref<512x128xf32, #tpu.memory_space<vmem>> -> memref<64x128xf32, #tpu.memory_space<vmem>>
    %dma_wait3A_193 = arith.constant 0 : i32
    %dma_wait3A_194 = tpu.memref_slice %arg9[%dma_wait3A_189, %dma_wait3A_193] : memref<8x64xi32, #tpu.memory_space<vmem>> -> memref<1x64xi32, #tpu.memory_space<vmem>>
    %dma_wait3A_195 = tpu.memref_squeeze %dma_wait3A_194 : memref<1x64xi32, #tpu.memory_space<vmem>> -> memref<64xi32, #tpu.memory_space<vmem>>
    %dma_wait3A_196 = arith.constant 0 : i32
    %dma_wait3A_197 = arith.constant 0 : i32
    %dma_wait3A_198 = tpu.memref_slice %arg12[%dma_wait3A_196, %dma_wait3A_197] : memref<288x128xf32, #tpu.memory_space<vmem_shared>> -> memref<288x128xf32, #tpu.memory_space<vmem_shared>>
    tpu.wait_indirect_dma semaphore(%arg15 : memref<!tpu.dma_semaphore, #tpu.memory_space<semaphore_mem>>) src(%dma_wait3A_198 : memref<288x128xf32, #tpu.memory_space<vmem_shared>>) dst(%dma_wait3A_192 : memref<64x128xf32, #tpu.memory_space<vmem>>)
    %add3A_199 = arith.constant 256 : i32
    %add3A_200 = arith.addi %mul3A_2, %add3A_199 : i32
    %dma_start3A_201 = arith.constant 256 : i32
    %dma_start3A_202 = arith.constant 0 : i32
    %dma_start3A_203 = tpu.memref_slice %arg10[%dma_start3A_201, %dma_start3A_202] : memref<512x128xf32, #tpu.memory_space<vmem>> -> memref<64x128xf32, #tpu.memory_space<vmem>>
    %dma_start3A_204 = arith.constant 0 : i32
    %dma_start3A_205 = tpu.memref_slice %arg6[%add3A_200, %dma_start3A_204] : memref<16384x128xf32, #tpu.memory_space<hbm>> -> memref<64x128xf32, #tpu.memory_space<hbm>>
    %dma_start3A_206 = arith.constant 0 : i32
    %dma_start3A_207 = tpu.memref_slice %arg6[%add3A_200, %dma_start3A_206] : memref<16384x128xf32, #tpu.memory_space<hbm>> -> memref<64x128xf32, #tpu.memory_space<hbm>>
    %dma_start3A_208 = arith.constant 256 : i32
    %dma_start3A_209 = arith.constant 0 : i32
    %dma_start3A_210 = tpu.memref_slice %arg10[%dma_start3A_208, %dma_start3A_209] : memref<512x128xf32, #tpu.memory_space<vmem>> -> memref<64x128xf32, #tpu.memory_space<vmem>>
    tpu.enqueue_dma source(%dma_start3A_210 : memref<64x128xf32, #tpu.memory_space<vmem>>) target(%dma_start3A_207 : memref<64x128xf32, #tpu.memory_space<hbm>>) target_semaphore(%arg16 : memref<!tpu.dma_semaphore, #tpu.memory_space<semaphore_mem>>)
    %dma_wait3A_211 = arith.constant 5 : i32
    %dma_wait3A_212 = arith.constant 320 : i32
    %dma_wait3A_213 = arith.constant 0 : i32
    %dma_wait3A_214 = tpu.memref_slice %arg10[%dma_wait3A_212, %dma_wait3A_213] : memref<512x128xf32, #tpu.memory_space<vmem>> -> memref<64x128xf32, #tpu.memory_space<vmem>>
    %dma_wait3A_215 = arith.constant 0 : i32
    %dma_wait3A_216 = tpu.memref_slice %arg9[%dma_wait3A_211, %dma_wait3A_215] : memref<8x64xi32, #tpu.memory_space<vmem>> -> memref<1x64xi32, #tpu.memory_space<vmem>>
    %dma_wait3A_217 = tpu.memref_squeeze %dma_wait3A_216 : memref<1x64xi32, #tpu.memory_space<vmem>> -> memref<64xi32, #tpu.memory_space<vmem>>
    %dma_wait3A_218 = arith.constant 0 : i32
    %dma_wait3A_219 = arith.constant 0 : i32
    %dma_wait3A_220 = tpu.memref_slice %arg12[%dma_wait3A_218, %dma_wait3A_219] : memref<288x128xf32, #tpu.memory_space<vmem_shared>> -> memref<288x128xf32, #tpu.memory_space<vmem_shared>>
    tpu.wait_indirect_dma semaphore(%arg15 : memref<!tpu.dma_semaphore, #tpu.memory_space<semaphore_mem>>) src(%dma_wait3A_220 : memref<288x128xf32, #tpu.memory_space<vmem_shared>>) dst(%dma_wait3A_214 : memref<64x128xf32, #tpu.memory_space<vmem>>)
    %add3A_221 = arith.constant 320 : i32
    %add3A_222 = arith.addi %mul3A_2, %add3A_221 : i32
    %dma_start3A_223 = arith.constant 320 : i32
    %dma_start3A_224 = arith.constant 0 : i32
    %dma_start3A_225 = tpu.memref_slice %arg10[%dma_start3A_223, %dma_start3A_224] : memref<512x128xf32, #tpu.memory_space<vmem>> -> memref<64x128xf32, #tpu.memory_space<vmem>>
    %dma_start3A_226 = arith.constant 0 : i32
    %dma_start3A_227 = tpu.memref_slice %arg6[%add3A_222, %dma_start3A_226] : memref<16384x128xf32, #tpu.memory_space<hbm>> -> memref<64x128xf32, #tpu.memory_space<hbm>>
    %dma_start3A_228 = arith.constant 0 : i32
    %dma_start3A_229 = tpu.memref_slice %arg6[%add3A_222, %dma_start3A_228] : memref<16384x128xf32, #tpu.memory_space<hbm>> -> memref<64x128xf32, #tpu.memory_space<hbm>>
    %dma_start3A_230 = arith.constant 320 : i32
    %dma_start3A_231 = arith.constant 0 : i32
    %dma_start3A_232 = tpu.memref_slice %arg10[%dma_start3A_230, %dma_start3A_231] : memref<512x128xf32, #tpu.memory_space<vmem>> -> memref<64x128xf32, #tpu.memory_space<vmem>>
    tpu.enqueue_dma source(%dma_start3A_232 : memref<64x128xf32, #tpu.memory_space<vmem>>) target(%dma_start3A_229 : memref<64x128xf32, #tpu.memory_space<hbm>>) target_semaphore(%arg16 : memref<!tpu.dma_semaphore, #tpu.memory_space<semaphore_mem>>)
    %dma_wait3A_233 = arith.constant 6 : i32
    %dma_wait3A_234 = arith.constant 384 : i32
    %dma_wait3A_235 = arith.constant 0 : i32
    %dma_wait3A_236 = tpu.memref_slice %arg10[%dma_wait3A_234, %dma_wait3A_235] : memref<512x128xf32, #tpu.memory_space<vmem>> -> memref<64x128xf32, #tpu.memory_space<vmem>>
    %dma_wait3A_237 = arith.constant 0 : i32
    %dma_wait3A_238 = tpu.memref_slice %arg9[%dma_wait3A_233, %dma_wait3A_237] : memref<8x64xi32, #tpu.memory_space<vmem>> -> memref<1x64xi32, #tpu.memory_space<vmem>>
    %dma_wait3A_239 = tpu.memref_squeeze %dma_wait3A_238 : memref<1x64xi32, #tpu.memory_space<vmem>> -> memref<64xi32, #tpu.memory_space<vmem>>
    %dma_wait3A_240 = arith.constant 0 : i32
    %dma_wait3A_241 = arith.constant 0 : i32
    %dma_wait3A_242 = tpu.memref_slice %arg12[%dma_wait3A_240, %dma_wait3A_241] : memref<288x128xf32, #tpu.memory_space<vmem_shared>> -> memref<288x128xf32, #tpu.memory_space<vmem_shared>>
    tpu.wait_indirect_dma semaphore(%arg15 : memref<!tpu.dma_semaphore, #tpu.memory_space<semaphore_mem>>) src(%dma_wait3A_242 : memref<288x128xf32, #tpu.memory_space<vmem_shared>>) dst(%dma_wait3A_236 : memref<64x128xf32, #tpu.memory_space<vmem>>)
    %add3A_243 = arith.constant 384 : i32
    %add3A_244 = arith.addi %mul3A_2, %add3A_243 : i32
    %dma_start3A_245 = arith.constant 384 : i32
    %dma_start3A_246 = arith.constant 0 : i32
    %dma_start3A_247 = tpu.memref_slice %arg10[%dma_start3A_245, %dma_start3A_246] : memref<512x128xf32, #tpu.memory_space<vmem>> -> memref<64x128xf32, #tpu.memory_space<vmem>>
    %dma_start3A_248 = arith.constant 0 : i32
    %dma_start3A_249 = tpu.memref_slice %arg6[%add3A_244, %dma_start3A_248] : memref<16384x128xf32, #tpu.memory_space<hbm>> -> memref<64x128xf32, #tpu.memory_space<hbm>>
    %dma_start3A_250 = arith.constant 0 : i32
    %dma_start3A_251 = tpu.memref_slice %arg6[%add3A_244, %dma_start3A_250] : memref<16384x128xf32, #tpu.memory_space<hbm>> -> memref<64x128xf32, #tpu.memory_space<hbm>>
    %dma_start3A_252 = arith.constant 384 : i32
    %dma_start3A_253 = arith.constant 0 : i32
    %dma_start3A_254 = tpu.memref_slice %arg10[%dma_start3A_252, %dma_start3A_253] : memref<512x128xf32, #tpu.memory_space<vmem>> -> memref<64x128xf32, #tpu.memory_space<vmem>>
    tpu.enqueue_dma source(%dma_start3A_254 : memref<64x128xf32, #tpu.memory_space<vmem>>) target(%dma_start3A_251 : memref<64x128xf32, #tpu.memory_space<hbm>>) target_semaphore(%arg16 : memref<!tpu.dma_semaphore, #tpu.memory_space<semaphore_mem>>)
    %dma_wait3A_255 = arith.constant 7 : i32
    %dma_wait3A_256 = arith.constant 448 : i32
    %dma_wait3A_257 = arith.constant 0 : i32
    %dma_wait3A_258 = tpu.memref_slice %arg10[%dma_wait3A_256, %dma_wait3A_257] : memref<512x128xf32, #tpu.memory_space<vmem>> -> memref<64x128xf32, #tpu.memory_space<vmem>>
    %dma_wait3A_259 = arith.constant 0 : i32
    %dma_wait3A_260 = tpu.memref_slice %arg9[%dma_wait3A_255, %dma_wait3A_259] : memref<8x64xi32, #tpu.memory_space<vmem>> -> memref<1x64xi32, #tpu.memory_space<vmem>>
    %dma_wait3A_261 = tpu.memref_squeeze %dma_wait3A_260 : memref<1x64xi32, #tpu.memory_space<vmem>> -> memref<64xi32, #tpu.memory_space<vmem>>
    %dma_wait3A_262 = arith.constant 0 : i32
    %dma_wait3A_263 = arith.constant 0 : i32
    %dma_wait3A_264 = tpu.memref_slice %arg12[%dma_wait3A_262, %dma_wait3A_263] : memref<288x128xf32, #tpu.memory_space<vmem_shared>> -> memref<288x128xf32, #tpu.memory_space<vmem_shared>>
    tpu.wait_indirect_dma semaphore(%arg15 : memref<!tpu.dma_semaphore, #tpu.memory_space<semaphore_mem>>) src(%dma_wait3A_264 : memref<288x128xf32, #tpu.memory_space<vmem_shared>>) dst(%dma_wait3A_258 : memref<64x128xf32, #tpu.memory_space<vmem>>)
    %add3A_265 = arith.constant 448 : i32
    %add3A_266 = arith.addi %mul3A_2, %add3A_265 : i32
    %dma_start3A_267 = arith.constant 448 : i32
    %dma_start3A_268 = arith.constant 0 : i32
    %dma_start3A_269 = tpu.memref_slice %arg10[%dma_start3A_267, %dma_start3A_268] : memref<512x128xf32, #tpu.memory_space<vmem>> -> memref<64x128xf32, #tpu.memory_space<vmem>>
    %dma_start3A_270 = arith.constant 0 : i32
    %dma_start3A_271 = tpu.memref_slice %arg6[%add3A_266, %dma_start3A_270] : memref<16384x128xf32, #tpu.memory_space<hbm>> -> memref<64x128xf32, #tpu.memory_space<hbm>>
    %dma_start3A_272 = arith.constant 0 : i32
    %dma_start3A_273 = tpu.memref_slice %arg6[%add3A_266, %dma_start3A_272] : memref<16384x128xf32, #tpu.memory_space<hbm>> -> memref<64x128xf32, #tpu.memory_space<hbm>>
    %dma_start3A_274 = arith.constant 448 : i32
    %dma_start3A_275 = arith.constant 0 : i32
    %dma_start3A_276 = tpu.memref_slice %arg10[%dma_start3A_274, %dma_start3A_275] : memref<512x128xf32, #tpu.memory_space<vmem>> -> memref<64x128xf32, #tpu.memory_space<vmem>>
    tpu.enqueue_dma source(%dma_start3A_276 : memref<64x128xf32, #tpu.memory_space<vmem>>) target(%dma_start3A_273 : memref<64x128xf32, #tpu.memory_space<hbm>>) target_semaphore(%arg16 : memref<!tpu.dma_semaphore, #tpu.memory_space<semaphore_mem>>)
    %dma_wait3A_277 = arith.constant 0 : i32
    %dma_wait3A_278 = arith.constant 0 : i32
    %dma_wait3A_279 = tpu.memref_slice %arg10[%dma_wait3A_277, %dma_wait3A_278] : memref<512x128xf32, #tpu.memory_space<vmem>> -> memref<64x128xf32, #tpu.memory_space<vmem>>
    %dma_wait3A_280 = arith.constant 0 : i32
    %dma_wait3A_281 = tpu.memref_slice %arg6[%add3A_112, %dma_wait3A_280] : memref<16384x128xf32, #tpu.memory_space<hbm>> -> memref<64x128xf32, #tpu.memory_space<hbm>>
    %dma_wait3A_282 = arith.constant 0 : i32
    %dma_wait3A_283 = tpu.memref_slice %arg6[%add3A_112, %dma_wait3A_282] : memref<16384x128xf32, #tpu.memory_space<hbm>> -> memref<64x128xf32, #tpu.memory_space<hbm>>
    %dma_wait3A_284 = arith.constant 0 : i32
    %dma_wait3A_285 = arith.constant 0 : i32
    %dma_wait3A_286 = tpu.memref_slice %arg10[%dma_wait3A_284, %dma_wait3A_285] : memref<512x128xf32, #tpu.memory_space<vmem>> -> memref<64x128xf32, #tpu.memory_space<vmem>>
    tpu.wait_dma2 semaphore(%arg16 : memref<!tpu.dma_semaphore, #tpu.memory_space<semaphore_mem>>) src(%dma_wait3A_286 : memref<64x128xf32, #tpu.memory_space<vmem>>) dst(%dma_wait3A_283 : memref<64x128xf32, #tpu.memory_space<hbm>>)
    %dma_wait3A_287 = arith.constant 64 : i32
    %dma_wait3A_288 = arith.constant 0 : i32
    %dma_wait3A_289 = tpu.memref_slice %arg10[%dma_wait3A_287, %dma_wait3A_288] : memref<512x128xf32, #tpu.memory_space<vmem>> -> memref<64x128xf32, #tpu.memory_space<vmem>>
    %dma_wait3A_290 = arith.constant 0 : i32
    %dma_wait3A_291 = tpu.memref_slice %arg6[%add3A_134, %dma_wait3A_290] : memref<16384x128xf32, #tpu.memory_space<hbm>> -> memref<64x128xf32, #tpu.memory_space<hbm>>
    %dma_wait3A_292 = arith.constant 0 : i32
    %dma_wait3A_293 = tpu.memref_slice %arg6[%add3A_134, %dma_wait3A_292] : memref<16384x128xf32, #tpu.memory_space<hbm>> -> memref<64x128xf32, #tpu.memory_space<hbm>>
    %dma_wait3A_294 = arith.constant 64 : i32
    %dma_wait3A_295 = arith.constant 0 : i32
    %dma_wait3A_296 = tpu.memref_slice %arg10[%dma_wait3A_294, %dma_wait3A_295] : memref<512x128xf32, #tpu.memory_space<vmem>> -> memref<64x128xf32, #tpu.memory_space<vmem>>
    tpu.wait_dma2 semaphore(%arg16 : memref<!tpu.dma_semaphore, #tpu.memory_space<semaphore_mem>>) src(%dma_wait3A_296 : memref<64x128xf32, #tpu.memory_space<vmem>>) dst(%dma_wait3A_293 : memref<64x128xf32, #tpu.memory_space<hbm>>)
    %dma_wait3A_297 = arith.constant 128 : i32
    %dma_wait3A_298 = arith.constant 0 : i32
    %dma_wait3A_299 = tpu.memref_slice %arg10[%dma_wait3A_297, %dma_wait3A_298] : memref<512x128xf32, #tpu.memory_space<vmem>> -> memref<64x128xf32, #tpu.memory_space<vmem>>
    %dma_wait3A_300 = arith.constant 0 : i32
    %dma_wait3A_301 = tpu.memref_slice %arg6[%add3A_156, %dma_wait3A_300] : memref<16384x128xf32, #tpu.memory_space<hbm>> -> memref<64x128xf32, #tpu.memory_space<hbm>>
    %dma_wait3A_302 = arith.constant 0 : i32
    %dma_wait3A_303 = tpu.memref_slice %arg6[%add3A_156, %dma_wait3A_302] : memref<16384x128xf32, #tpu.memory_space<hbm>> -> memref<64x128xf32, #tpu.memory_space<hbm>>
    %dma_wait3A_304 = arith.constant 128 : i32
    %dma_wait3A_305 = arith.constant 0 : i32
    %dma_wait3A_306 = tpu.memref_slice %arg10[%dma_wait3A_304, %dma_wait3A_305] : memref<512x128xf32, #tpu.memory_space<vmem>> -> memref<64x128xf32, #tpu.memory_space<vmem>>
    tpu.wait_dma2 semaphore(%arg16 : memref<!tpu.dma_semaphore, #tpu.memory_space<semaphore_mem>>) src(%dma_wait3A_306 : memref<64x128xf32, #tpu.memory_space<vmem>>) dst(%dma_wait3A_303 : memref<64x128xf32, #tpu.memory_space<hbm>>)
    %dma_wait3A_307 = arith.constant 192 : i32
    %dma_wait3A_308 = arith.constant 0 : i32
    %dma_wait3A_309 = tpu.memref_slice %arg10[%dma_wait3A_307, %dma_wait3A_308] : memref<512x128xf32, #tpu.memory_space<vmem>> -> memref<64x128xf32, #tpu.memory_space<vmem>>
    %dma_wait3A_310 = arith.constant 0 : i32
    %dma_wait3A_311 = tpu.memref_slice %arg6[%add3A_178, %dma_wait3A_310] : memref<16384x128xf32, #tpu.memory_space<hbm>> -> memref<64x128xf32, #tpu.memory_space<hbm>>
    %dma_wait3A_312 = arith.constant 0 : i32
    %dma_wait3A_313 = tpu.memref_slice %arg6[%add3A_178, %dma_wait3A_312] : memref<16384x128xf32, #tpu.memory_space<hbm>> -> memref<64x128xf32, #tpu.memory_space<hbm>>
    %dma_wait3A_314 = arith.constant 192 : i32
    %dma_wait3A_315 = arith.constant 0 : i32
    %dma_wait3A_316 = tpu.memref_slice %arg10[%dma_wait3A_314, %dma_wait3A_315] : memref<512x128xf32, #tpu.memory_space<vmem>> -> memref<64x128xf32, #tpu.memory_space<vmem>>
    tpu.wait_dma2 semaphore(%arg16 : memref<!tpu.dma_semaphore, #tpu.memory_space<semaphore_mem>>) src(%dma_wait3A_316 : memref<64x128xf32, #tpu.memory_space<vmem>>) dst(%dma_wait3A_313 : memref<64x128xf32, #tpu.memory_space<hbm>>)
    %dma_wait3A_317 = arith.constant 256 : i32
    %dma_wait3A_318 = arith.constant 0 : i32
    %dma_wait3A_319 = tpu.memref_slice %arg10[%dma_wait3A_317, %dma_wait3A_318] : memref<512x128xf32, #tpu.memory_space<vmem>> -> memref<64x128xf32, #tpu.memory_space<vmem>>
    %dma_wait3A_320 = arith.constant 0 : i32
    %dma_wait3A_321 = tpu.memref_slice %arg6[%add3A_200, %dma_wait3A_320] : memref<16384x128xf32, #tpu.memory_space<hbm>> -> memref<64x128xf32, #tpu.memory_space<hbm>>
    %dma_wait3A_322 = arith.constant 0 : i32
    %dma_wait3A_323 = tpu.memref_slice %arg6[%add3A_200, %dma_wait3A_322] : memref<16384x128xf32, #tpu.memory_space<hbm>> -> memref<64x128xf32, #tpu.memory_space<hbm>>
    %dma_wait3A_324 = arith.constant 256 : i32
    %dma_wait3A_325 = arith.constant 0 : i32
    %dma_wait3A_326 = tpu.memref_slice %arg10[%dma_wait3A_324, %dma_wait3A_325] : memref<512x128xf32, #tpu.memory_space<vmem>> -> memref<64x128xf32, #tpu.memory_space<vmem>>
    tpu.wait_dma2 semaphore(%arg16 : memref<!tpu.dma_semaphore, #tpu.memory_space<semaphore_mem>>) src(%dma_wait3A_326 : memref<64x128xf32, #tpu.memory_space<vmem>>) dst(%dma_wait3A_323 : memref<64x128xf32, #tpu.memory_space<hbm>>)
    %dma_wait3A_327 = arith.constant 320 : i32
    %dma_wait3A_328 = arith.constant 0 : i32
    %dma_wait3A_329 = tpu.memref_slice %arg10[%dma_wait3A_327, %dma_wait3A_328] : memref<512x128xf32, #tpu.memory_space<vmem>> -> memref<64x128xf32, #tpu.memory_space<vmem>>
    %dma_wait3A_330 = arith.constant 0 : i32
    %dma_wait3A_331 = tpu.memref_slice %arg6[%add3A_222, %dma_wait3A_330] : memref<16384x128xf32, #tpu.memory_space<hbm>> -> memref<64x128xf32, #tpu.memory_space<hbm>>
    %dma_wait3A_332 = arith.constant 0 : i32
    %dma_wait3A_333 = tpu.memref_slice %arg6[%add3A_222, %dma_wait3A_332] : memref<16384x128xf32, #tpu.memory_space<hbm>> -> memref<64x128xf32, #tpu.memory_space<hbm>>
    %dma_wait3A_334 = arith.constant 320 : i32
    %dma_wait3A_335 = arith.constant 0 : i32
    %dma_wait3A_336 = tpu.memref_slice %arg10[%dma_wait3A_334, %dma_wait3A_335] : memref<512x128xf32, #tpu.memory_space<vmem>> -> memref<64x128xf32, #tpu.memory_space<vmem>>
    tpu.wait_dma2 semaphore(%arg16 : memref<!tpu.dma_semaphore, #tpu.memory_space<semaphore_mem>>) src(%dma_wait3A_336 : memref<64x128xf32, #tpu.memory_space<vmem>>) dst(%dma_wait3A_333 : memref<64x128xf32, #tpu.memory_space<hbm>>)
    %dma_wait3A_337 = arith.constant 384 : i32
    %dma_wait3A_338 = arith.constant 0 : i32
    %dma_wait3A_339 = tpu.memref_slice %arg10[%dma_wait3A_337, %dma_wait3A_338] : memref<512x128xf32, #tpu.memory_space<vmem>> -> memref<64x128xf32, #tpu.memory_space<vmem>>
    %dma_wait3A_340 = arith.constant 0 : i32
    %dma_wait3A_341 = tpu.memref_slice %arg6[%add3A_244, %dma_wait3A_340] : memref<16384x128xf32, #tpu.memory_space<hbm>> -> memref<64x128xf32, #tpu.memory_space<hbm>>
    %dma_wait3A_342 = arith.constant 0 : i32
    %dma_wait3A_343 = tpu.memref_slice %arg6[%add3A_244, %dma_wait3A_342] : memref<16384x128xf32, #tpu.memory_space<hbm>> -> memref<64x128xf32, #tpu.memory_space<hbm>>
    %dma_wait3A_344 = arith.constant 384 : i32
    %dma_wait3A_345 = arith.constant 0 : i32
    %dma_wait3A_346 = tpu.memref_slice %arg10[%dma_wait3A_344, %dma_wait3A_345] : memref<512x128xf32, #tpu.memory_space<vmem>> -> memref<64x128xf32, #tpu.memory_space<vmem>>
    tpu.wait_dma2 semaphore(%arg16 : memref<!tpu.dma_semaphore, #tpu.memory_space<semaphore_mem>>) src(%dma_wait3A_346 : memref<64x128xf32, #tpu.memory_space<vmem>>) dst(%dma_wait3A_343 : memref<64x128xf32, #tpu.memory_space<hbm>>)
    %dma_wait3A_347 = arith.constant 448 : i32
    %dma_wait3A_348 = arith.constant 0 : i32
    %dma_wait3A_349 = tpu.memref_slice %arg10[%dma_wait3A_347, %dma_wait3A_348] : memref<512x128xf32, #tpu.memory_space<vmem>> -> memref<64x128xf32, #tpu.memory_space<vmem>>
    %dma_wait3A_350 = arith.constant 0 : i32
    %dma_wait3A_351 = tpu.memref_slice %arg6[%add3A_266, %dma_wait3A_350] : memref<16384x128xf32, #tpu.memory_space<hbm>> -> memref<64x128xf32, #tpu.memory_space<hbm>>
    %dma_wait3A_352 = arith.constant 0 : i32
    %dma_wait3A_353 = tpu.memref_slice %arg6[%add3A_266, %dma_wait3A_352] : memref<16384x128xf32, #tpu.memory_space<hbm>> -> memref<64x128xf32, #tpu.memory_space<hbm>>
    %dma_wait3A_354 = arith.constant 448 : i32
    %dma_wait3A_355 = arith.constant 0 : i32
    %dma_wait3A_356 = tpu.memref_slice %arg10[%dma_wait3A_354, %dma_wait3A_355] : memref<512x128xf32, #tpu.memory_space<vmem>> -> memref<64x128xf32, #tpu.memory_space<vmem>>
    tpu.wait_dma2 semaphore(%arg16 : memref<!tpu.dma_semaphore, #tpu.memory_space<semaphore_mem>>) src(%dma_wait3A_356 : memref<64x128xf32, #tpu.memory_space<vmem>>) dst(%dma_wait3A_353 : memref<64x128xf32, #tpu.memory_space<hbm>>)
    return
  }
}

</mosaic_0001>

<sc_bundles>
// kernel: kernel.3.cloned.1.call-start
scs
__scs_entry_jumppad:
0x0: {  	(pc) =	sbr.rel $0x88, $3  }
0x1: {  	(tag) =	ssettag $0x0;
	lr =	simm.s32 $0x1  }
0x2: {  	[smem:$0x3F9D] =	sst lr;
	_ =	strace $0xD0000000  }
0x3: {  	_ = 	snop  }
0x4: {  	_ = 	snop  }
0x5: {  	_ = 	snop  }
0x6: {  	_ = 	snop  }
0x7: {  	_ = 	snop  }
__scs_overlays_trampoline_lowered:
0x8: {  	[smem:$0x3FAC] =	sst s0  }
0x9: {  	[smem:$0x3FAD] =	sst s1  }
0xa: {  	[smem:$0x3FAE] =	sst s2  }
0xb: {  	[smem:$0x3FAF] =	sst s3  }
0xc: {  	[smem:$0x3FB0] =	sst s4  }
0xd: {  	[smem:$0x3FB1] =	sst s5  }
0xe: {  	[smem:$0x3FB2] =	sst s6  }
0xf: {  	[smem:$0x3FB3] =	sst s7  }
0x10: {  	[smem:$0x3FB4] =	sst s8  }
0x11: {  	[smem:$0x3FB5] =	sst s9;
	s0 =	simm.s32 @!p0 $0x0  }
0x12: {  	s1 =	sld [smem:$0x3F9B];
	s0 =	simm.s32 @p0 $0x1  }
0x13: {  	[smem:$0x3FB6] =	sst s0;
	s0 =	simm.s32 @!p1 $0x0  }
0x14: {  	s2 =	sld [smem:$0x3F9A];
	s0 =	simm.s32 @p1 $0x1  }
0x15: {  	[smem:$0x3FB7] =	sst s0;
	s0 =	simm.s32 @!p2 $0x0  }
0x16: {  	s3 =	sld [smem:$0x3FDB];
	s0 =	simm.s32 @p2 $0x1  }
0x17: {  	s4 =	simm.s32 $0x1BF5;
	[smem:$0x3FB9] =	sst s0  }
0x18: {  	s0 =	sld [smem:$0x3F9C];
	_ =	swait.ge [sflag:s4], $0x0  }
0x19: {  	s7 =	sld [smem:$0x3F9D]  }
0x1a: {  	s8 =	sadd.s32 $0xFFFFE003, lr  }
0x1b: {  	s9 =	sadd.s32 $0xFFFFFEF7, lr;
	s5 =	simm.s32 $0xFFFFFFFF;
	p2 =	slt.u32 s8, $0xFFFFF086  }
0x1c: {  	p1 =	slt.u32 s9, $0xF7A;
	s5 =	simm.s32 @!p2 $0x0  }
0x1d: {  	s5 =	simm.s32 @p1 $0x1;
	p0 =	seq.s32 s7, s2  }
0x1e: {  	s7 =	smul.u32 @!p0 $0xF7A, s2;
	p2 =	seq.s32 @!p0 s5, $0x0  }
0x1f: {  	s9 =	smul.u32 $0xF7A, s1;
	s8 =	simm.s32 @!p0 $0x1BF5;
	p2 =	por !p2, p0  }
0x20: {  	[sflag:s8] =	ssyncset.s32 @!p0 $0xFFFFF086;
	s6 =	sadd.s32 @!p0 s3, s7;
	s7 =	simm.s32 @!p0 $0x108  }
0x21: {  	s3 =	sadd.s32 s3, s9;
	s6 =	sadd.s32 @!p0 $0x88, s6;
	s7 =	simm.s32 @p2 $0x1082  }
0x22: {  	[simem:s7], [sflag:s8] =	dma.local @!p0 [hbm:s6], $0xF7A  }
0x23: {  	s9 =	sor.u32 $0xD0000000, s2;
	s6 =	simm.s32 $0x108;
	_ =	swait.ge @!p0 [sflag:s8], $0x0  }
0x24: {  	s3 =	sadd.s32 $0x88, s3;
	s6 =	simm.s32 @!p1 $0x1082;
	[sflag:s4] =	ssyncset.s32 $0xFFFFF086  }
0x25: {  	[simem:s6], [sflag:s4] =	dma.local [hbm:s3], $0xF7A  }
0x26: {  	[smem:$0x3F9D] =	sst s1;
	(tag) =	ssettag s2;
	_ =	strace s9  }
0x27: {  	s1 =	sld [smem:$0x3FAD]  }
0x28: {  	s2 =	sld [smem:$0x3FAE]  }
0x29: {  	s4 =	sld [smem:$0x3FB0]  }
0x2a: {  	p0 =	seq.s32 s5, $0x0;
	s5 =	sld [smem:$0x3FB1]  }
0x2b: {  	s6 =	sld [smem:$0x3FB2]  }
0x2c: {  	s7 =	sld [smem:$0x3FB3]  }
0x2d: {  	s3 =	simm.s32 $0x108;
	s8 =	sld [smem:$0x3FB4]  }
0x2e: {  	s3 =	simm.s32 @!p0 $0x1082;
	s9 =	sld [smem:$0x3FB5]  }
0x2f: {  	lr =	sadd.s32 s0, s3;
	s0 =	sld [smem:$0x3FAC]  }
0x30: {  	s3 =	sld [smem:$0x3FAF]  }
0x31: {  	[smem:$0x3FB8] =	sst s10  }
0x32: {  	s10 =	sld [smem:$0x3FB6];
	_ =	sdelay $0x3  }
0x33: {  	p0 =	seq.s32 s10, $0x1;
	s10 =	sld [smem:$0x3FB8];
	_ =	sdelay $0x3  }
0x34: {  	[smem:$0x3FB8] =	sst s10  }
0x35: {  	s10 =	sld [smem:$0x3FB7];
	_ =	sdelay $0x3  }
0x36: {  	p1 =	seq.s32 s10, $0x1;
	s10 =	sld [smem:$0x3FB8];
	_ =	sdelay $0x3  }
0x37: {  	[smem:$0x3FB8] =	sst s10  }
0x38: {  	s10 =	sld [smem:$0x3FB9]  }
0x39: {  	_ = 	snop;
	(pc) =	sbr.ind lr, $3  }
0x3a: {  	_ = 	snop  }
0x3b: {  	_ = 	snop  }
0x3c: {  	p2 =	seq.s32 s10, $0x1;
	s10 =	sld [smem:$0x3FB8]  }
0x3d: {  	_ =	shalt  }
0x3e: {  	_ =	shalt  }
0x3f: {  	_ =	shalt  }
0x40: {  	_ =	shalt  }
0x41: {  	_ =	shalt  }
0x42: {  	_ =	shalt  }
0x43: {  	_ =	shalt  }
0x44: {  	_ =	shalt  }
0x45: {  	_ =	shalt  }
0x46: {  	_ =	shalt  }
0x47: {  	_ =	shalt  }
0x48: {  	_ =	shalt  }
0x49: {  	_ =	shalt  }
0x4a: {  	_ =	shalt  }
0x4b: {  	_ =	shalt  }
0x4c: {  	_ =	shalt  }
0x4d: {  	_ =	shalt  }
0x4e: {  	_ =	shalt  }
0x4f: {  	_ =	shalt  }
0x50: {  	_ =	shalt  }
0x51: {  	_ =	shalt  }
0x52: {  	_ =	shalt  }
0x53: {  	_ =	shalt  }
0x54: {  	_ =	shalt  }
0x55: {  	_ =	shalt  }
0x56: {  	_ =	shalt  }
0x57: {  	_ =	shalt  }
0x58: {  	_ =	shalt  }
0x59: {  	_ =	shalt  }
0x5a: {  	_ =	shalt  }
0x5b: {  	_ =	shalt  }
0x5c: {  	_ =	shalt  }
0x5d: {  	_ =	shalt  }
0x5e: {  	_ =	shalt  }
0x5f: {  	_ =	shalt  }
0x60: {  	_ =	shalt  }
0x61: {  	_ =	shalt  }
0x62: {  	_ =	shalt  }
0x63: {  	_ =	shalt  }
0x64: {  	_ =	shalt  }
0x65: {  	_ =	shalt  }
0x66: {  	_ =	shalt  }
0x67: {  	_ =	shalt  }
0x68: {  	_ =	shalt  }
0x69: {  	_ =	shalt  }
0x6a: {  	_ =	shalt  }
0x6b: {  	_ =	shalt  }
0x6c: {  	_ =	shalt  }
0x6d: {  	_ =	shalt  }
0x6e: {  	_ =	shalt  }
0x6f: {  	_ =	shalt  }
0x70: {  	_ =	shalt  }
0x71: {  	_ =	shalt  }
0x72: {  	_ =	shalt  }
0x73: {  	_ =	shalt  }
0x74: {  	_ =	shalt  }
0x75: {  	_ =	shalt  }
0x76: {  	_ =	shalt  }
0x77: {  	_ =	shalt  }
0x78: {  	_ =	shalt  }
0x79: {  	_ =	shalt  }
0x7a: {  	_ =	shalt  }
0x7b: {  	_ =	shalt  }
0x7c: {  	_ =	shalt  }
0x7d: {  	_ =	shalt  }
0x7e: {  	_ =	shalt  }
0x7f: {  	_ =	shalt  }
0x80: {  	_ =	shalt  }
0x81: {  	_ =	shalt  }
0x82: {  	_ =	shalt  }
0x83: {  	_ =	shalt  }
0x84: {  	_ =	shalt  }
0x85: {  	_ =	shalt  }
0x86: {  	_ =	shalt  }
0x87: {  	_ =	shalt  }
.Lfunc_end0:
.L_simem_size_0:
called_computation_lowered:
.L_overlay_start_0:
0x88: {  	s2 =	sld [smem:$0x3FD9]  }
0x89: {  	s3 =	sld [smem:$0x3FFE];
	_ =	sdelay $0x1  }
0x8a: {  	s1 =	srdreg.scid  }
0x8b: {  	s0 =	sand.u32 $0x1, s1  }
0x8c: {  	s18 =	sshll.u32 s0, $0xA;
	s2 =	sadd.s32 s3, s2  }
0x8d: {  	s2 =	sadd.s32 s2, s18  }
0x8e: {  	[smem:$0x3FC4] =	sst s2  }
0x8f: {  	_ = 	snop  }
0x90: {  	s2 =	sld [smem:$0x3FC9]  }
0x91: {  	s19 =	sld [smem:$0x3FC8]  }
0x92: {  	s4 =	sld [smem:$0x3FC7]  }
0x93: {  	s5 =	sld [smem:$0x3FC6]  }
0x94: {  	s6 =	sld [smem:$0x3FD0];
	(tm) =	ssettm $0x1  }
0x95: {  	s7 =	sld [smem:$0x3FFB];
	_ =	sdelay $0x3  }
0x96: {  	_ =	strace s7  }
0x97: {  	s7 =	sld [smem:$0x3FFC];
	_ =	sdelay $0x3  }
0x98: {  	_ =	strace s7  }
0x99: {  	s7 =	sld [smem:$0x3FFD];
	_ =	sdelay $0x3  }
0x9a: {  	_ =	strace s7  }
0x9b: {  	_ =	strace $0x8FFFFFFF  }
0x9c: {  	s20 =	sld [smem:$0x3FDB];
	_ =	sdelay $0x1  }
0x9d: {  	s8 =	simm.s32 $_scs_section_size  }
0x9e: {  	s9 =	simm.s32 $_size__tile_overlayer_lowered;
	s10 =	simm.s32 $_tile_overlayer_lowered  }
0x9f: {  	s23 =	simm.s32 $0x1BFF;
	s22 =	sshll.u32 s10, $0x1;
	s7 =	sadd.s32 s8, s20  }
0xa0: {  	s11 =	simm.s32 $0x0;
	s21 =	sshll.u32 s9, $0x1;
	s9 =	sadd.s32 s22, s7  }
0xa1: {  	[timem:s11], [sflag:s23] =	dma.local [hbm:s9], s21  }
0xa2: {  	_ =	swait.ge [sflag:s23], s21  }
0xa3: {  	s8 =	ssub.s32 $0x0, s21;
	[sflag:s23] =	ssyncset.done $0x0  }
0xa4: {  	[sflag:s23] =	ssyncadd.s32 s8;
	_ =	sdelay $0x1  }
0xa5: {  	s24 =	simm.s32 $0x1B8B  }
0xa6: {  	_ =	swait.ge [sflag:s24], $0x1  }
0xa7: {  	[sflag:s24] =	ssyncset.done $0x0  }
0xa8: {  	s25 =	simm.s32 $0x1B8E;
	[sflag:s24] =	ssyncadd.s32 $0xFFFFFFFF  }
0xa9: {  	s26 =	simm.s32 $execute0_lowered;
	[smem:$0x3FD2] =	sst s25  }
0xaa: {  	s8 =	sshll.u32 s26, $0x1;
	_ =	strace $0x80000046;
	[dreg:$0x1] =	wrdreg $0xFFFFFFFF  }
0xab: {  	s28 =	simm.s32 $_size_execute0_lowered;
	s7 =	sadd.s32 s7, s8;
	[dreg:$0x0] =	wrdreg $0x0  }
0xac: {  	s8 =	sshll.u32 s28, $0x1;
	[dreg:$0x2] =	wrdreg s7  }
0xad: {  	[dreg:$0x3] =	wrdreg s8  }
0xae: {  	[dreg:$0x4] =	wrdreg $0xC0  }
0xaf: {  	_ =	task [dreg:s11], $0x5FFFF  }
0xb0: {  	[dreg:$0x1] =	wrdreg $0xFFFFFFFF  }
0xb1: {  	[dreg:$0x0] =	wrdreg $0x60  }
0xb2: {  	[dreg:$0x2] =	wrdreg s4  }
0xb3: {  	[dreg:$0x3] =	wrdreg s5  }
0xb4: {  	[dreg:$0x4] =	wrdreg s2  }
0xb5: {  	[dreg:$0x5] =	wrdreg s19  }
0xb6: {  	[dreg:$0x6] =	wrdreg s6  }
0xb7: {  	[dreg:$0x7] =	wrdreg $0x114000  }
0xb8: {  	[dreg:$0x8] =	wrdreg $0x9  }
0xb9: {  	_ =	task.clear_ibuf [dreg:s11], $0x9FFFF;
	_ =	strace $0x90000046  }
0xba: {  	s29 =	simm.s32 $0x9;
	_ =	strace $0x80000048  }
0xbb: {  	_ =	swait.ge [sflag:s29], $0x1  }
0xbc: {  	[sflag:s29] =	ssyncadd.s32 $0xFFFFFFFF  }
0xbd: {  	_ =	strace $0x90000048  }
0xbe: {  	_ =	sfence  }
0xbf: {  	s30 =	sld [smem:$0x0];
	_ =	sdelay $0x2  }
0xc0: {  	s31 =	sshll.u32 s1, $0xD;
	s1 =	sshrl.u32 s1, $0x2  }
0xc1: {  	s3 =	sand.u32 $0x4000, s31;
	s1 =	sadd.s32 s1, s30  }
0xc2: {  	s0 =	sor.u32 s3, s0;
	s1 =	sshll.u32 s1, $0x11  }
0xc3: {  	s0 =	sor.u32 s1, s0  }
0xc4: {  	s0 =	sadd.s32 $0x8F2B, s0  }
0xc5: {  	[sflag:s0] =	ssyncadd.remote.s32 $0x1  }
0xc6: {  	_ =	sfence.sel $0xFFFF  }
0xc7: {  	[dreg:$0x0] =	wrdreg $0xFFFFFFFF;
	(pc) =	sbr.abs _section_cstart, $3  }
0xc8: {  	[dreg:$0x1] =	wrdreg $0xFFFFFFFF  }
0xc9: {  	_ =	task.clear_ibuf [dreg:s11], $0x2FFFF;
	_ =	strace $0x9FFFFFFF  }
0xca: {  	(tm) =	ssettm $0x7FFFFFFF  }
0xcb: {  	_ =	shalt  }
tec
execute0_lowered:
.L_overlay_start_1:
0x0: {  	(tag) =	ssettag $0x1  }
0x1: {  	s0 =	rddreg [dreg:$0x0]  }
0x2: {  	s10 =	rddreg [dreg:$0x1]  }
0x3: {  	s1 =	rddreg [dreg:$0x2]  }
0x4: {  	s2 =	rddreg [dreg:$0x3]  }
0x5: {  	s5 =	rddreg [dreg:$0x4]  }
0x6: {  	s3 =	rddreg [dreg:$0x5];
	s4 =	simm.s32 $0x0  }
0x7: {  	[smem:$0x7FF] =	sst s4;
	s15 =	sadd.s32 $0x10, s10  }
0x8: {  	s16 =	sadd.s32 $0x20, s10;
	_ =	strace $0x80000047;
	[dreg:$0x9] =	wrdreg s15  }
0x9: {  	s17 =	sadd.s32 $0x30, s10;
	[dreg:$0xa] =	wrdreg s16  }
0xa: {  	s18 =	sadd.s32 $0x40, s10;
	[dreg:$0xb] =	wrdreg s17  }
0xb: {  	s19 =	sadd.s32 $0x50, s10;
	[dreg:$0xc] =	wrdreg s18  }
0xc: {  	s20 =	sadd.s32 $0x60, s10;
	[dreg:$0xd] =	wrdreg s19  }
0xd: {  	s21 =	sadd.s32 $0x70, s10;
	[dreg:$0xe] =	wrdreg s20  }
0xe: {  	s6 =	srdreg.scid;
	s22 =	sadd.s32 $0x80, s10;
	[dreg:$0xf] =	wrdreg s21  }
0xf: {  	s11 =	stileid.u32;
	s23 =	sadd.s32 $0x90, s10;
	[dreg:$0x10] =	wrdreg s22  }
0x10: {  	s28 =	simm.s32 $0x4;
	s24 =	sadd.s32 $0xA0, s10;
	[dreg:$0x11] =	wrdreg s23  }
0x11: {  	s29 =	simm.s32 $0x0;
	s25 =	sadd.s32 $0xB0, s10;
	[dreg:$0x12] =	wrdreg s24  }
0x12: {  	s6 =	sand.u32 $0x1, s6;
	s31 =	sadd.s32 $0xC0, s10;
	[dreg:$0x13] =	wrdreg s25  }
0x13: {  	s26 =	sshll.u32 s11, $0x4;
	s12 =	sadd.s32 $0xE0, s10;
	[dreg:$0x14] =	wrdreg s31  }
0x14: {  	s8 =	sshll.u32 s11, $0xA;
	s0 =	sadd.s32 s0, s26;
	[dreg:$0x17] =	wrdreg s12  }
0x15: {  	s30 =	smul.u32 $0x3000, s11;
	s15 =	sadd.s32 $0xF0, s10;
	[dreg:$0x16] =	wrdreg s0  }
0x16: {  	p0 =	sgt.u32 s11, $0xB;
	s17 =	sadd.s32 $0x100, s10;
	[dreg:$0x18] =	wrdreg s15  }
0x17: {  	s11 =	simm.s32 $0x80;
	s18 =	sadd.s32 $0x110, s10;
	[dreg:$0x1b] =	wrdreg s17  }
0x18: {  	s7 =	ssub.s32 $0x2, s6;
	s19 =	sadd.s32 $0x120, s10;
	[dreg:$0x1c] =	wrdreg s18  }
0x19: {  	s6 =	sshll.u32 s6, $0x9;
	s20 =	sadd.s32 $0x130, s10;
	[dreg:$0x1d] =	wrdreg s19  }
0x1a: {  	s21 =	sadd.s32 $0x140, s10;
	s23 =	sadd.s32 $0x150, s10;
	[dreg:$0x1e] =	wrdreg s20  }
0x1b: {  	s24 =	sadd.s32 $0x160, s10;
	s25 =	sadd.s32 $0x170, s10;
	[dreg:$0x1f] =	wrdreg s21  }
0x1c: {  	s12 =	simm.s32 $0x400;
	s9 =	sshrl.u32 s7, $0x1;
	[smem:$0x7F8] =	sst s23  }
0x1d: {  	s6 =	sor.u32 s6, s8;
	s13 =	sshrl.u32 s30, $0x2;
	[smem:$0x7F9] =	sst s24  }
0x1e: {  	[smem:$0x7FA] =	sst s25;
	s15 =	simm.s32 $0x40;
	s17 =	simm.s32 $0x2800  }
0x1f: {  	s18 =	simm.s32 $0x4800;
	s19 =	simm.s32 $0x6800;
	s20 =	simm.s32 $0x8800  }
0x20: {  	s21 =	simm.s32 $0xA800;
	s7 =	ssub.s32 s7, s9;
	s9 =	sadd.s32 $0xD0, s10  }
0x21: {  	s8 =	sshrl.u32 s6, $0x3;
	s0 =	sadd.s32 s13, s3;
	[dreg:$0x15] =	wrdreg s9  }
0x22: {  	s23 =	simm.s32 $0xC800;
	s1 =	sadd.s32 s1, s8;
	[dreg:$0x19] =	wrdreg s0  }
0x23: {  	s25 =	simm.s32 $0xE800;
	s14 =	sadd.s32 s2, s8;
	[dreg:$0x7] =	wrdreg s1  }
0x24: {  	s13 =	simm.s32 $0x1;
	s16 =	smax.u32 s7, $0x1;
	[dreg:$0x8] =	wrdreg s14  }
0x25: {  	s14 =	sshll.u32 s6, $0x4;
	[dreg:$0x1a] =	wrdreg s16;
	s6 =	simm.s32 $0x10800  }
.Ltmp0:
0x26: {  	s16 =	simm.s32 $0x800;
	s22 =	sadd.s32 s5, s14;
	(pc) =	sbr.rel .LBB2_1-.Ltmp0, $4  }
0x27: {  	s14 =	simm.s32 $0x2;
	s26 =	sadd.s32 $0x400, s22;
	s30 =	sadd.s32 $0x800, s22  }
0x28: {  	s31 =	sadd.s32 $0xC00, s22;
	s7 =	sadd.s32 $0x1000, s22;
	[smem:$0x7FB] =	sst s26  }
0x29: {  	s8 =	sadd.s32 $0x1400, s22;
	s9 =	sadd.s32 $0x1800, s22;
	[smem:$0x7FC] =	sst s30  }
0x2a: {  	s10 =	sadd.s32 $0x1C00, s22;
	[smem:$0x7FD] =	sst s31;
	s26 =	simm.s32 $0x3  }
.LBB2_7:
0x2b: {  	[bflag:$0x0] =	sbarrier.arrive $0xFFFF  }
0x2c: {  	[tilespmem:s16], [sflag:$0x3] =	stream.indirect.gather [spmem:s3], $0x80, s12, s15, $0xb8;
	[tilespmem:$0x11D00] =	vst v63  }
0x2d: {  	s0 =	simm.s32 $0x480  }
0x2e: {  	[tilespmem:s17], [sflag:$0x3] =	stream.indirect.gather [spmem:s3], $0x80, s0, s15, $0xb8;
	[tilespmem:$0x11D00] =	vst v63  }
0x2f: {  	s5 =	simm.s32 $0x500  }
0x30: {  	[tilespmem:s18], [sflag:$0x3] =	stream.indirect.gather [spmem:s3], $0x80, s5, s15, $0xb8;
	[tilespmem:$0x11D00] =	vst v63  }
0x31: {  	s24 =	simm.s32 $0x580  }
0x32: {  	[tilespmem:s19], [sflag:$0x3] =	stream.indirect.gather [spmem:s3], $0x80, s24, s15, $0xb8;
	[tilespmem:$0x11D00] =	vst v63  }
0x33: {  	s30 =	simm.s32 $0x600  }
0x34: {  	[tilespmem:s20], [sflag:$0x3] =	stream.indirect.gather [spmem:s3], $0x80, s30, s15, $0xb8;
	[tilespmem:$0x11D00] =	vst v63  }
0x35: {  	s31 =	simm.s32 $0x680  }
0x36: {  	[tilespmem:s21], [sflag:$0x3] =	stream.indirect.gather [spmem:s3], $0x80, s31, s15, $0xb8;
	[tilespmem:$0x11D00] =	vst v63  }
0x37: {  	s1 =	simm.s32 $0x700  }
0x38: {  	[tilespmem:s23], [sflag:$0x3] =	stream.indirect.gather [spmem:s3], $0x80, s1, s15, $0xb8;
	[tilespmem:$0x11D00] =	vst v63  }
0x39: {  	s2 =	simm.s32 $0x780  }
0x3a: {  	[tilespmem:s25], [sflag:$0x3] =	stream.indirect.gather [spmem:s3], $0x80, s2, s15, $0xb8;
	[tilespmem:$0x11D00] =	vst v63  }
0x3b: {  	_ =	swait.ge [sflag:s26], $0x2000  }
0x3c: {  	[sflag:s26] =	ssyncset.done $0x0  }
0x3d: {  	[sflag:s26] =	ssyncadd.s32 $0xFFFFE000  }
0x3e: {  	[hbm4b:s22+s4] =	stream.linear.scatter [tilespmem:s16], [sflag:$0x4], $0x2000, $0x38;
	[tilespmem:$0x11D00] =	vst v63  }
0x3f: {  	_ =	swait.ge [sflag:s26], $0x2000  }
0x40: {  	s5 =	sld [smem:$0x7FB]  }
0x41: {  	[sflag:s26] =	ssyncset.done $0x0  }
0x42: {  	[sflag:s26] =	ssyncadd.s32 $0xFFFFE000  }
0x43: {  	[hbm4b:s5+s4] =	stream.linear.scatter [tilespmem:s17], [sflag:$0x4], $0x2000, $0x38;
	[tilespmem:$0x11D00] =	vst v63  }
0x44: {  	_ =	swait.ge [sflag:s26], $0x2000  }
0x45: {  	s24 =	sld [smem:$0x7FC]  }
0x46: {  	[sflag:s26] =	ssyncset.done $0x0  }
0x47: {  	[sflag:s26] =	ssyncadd.s32 $0xFFFFE000  }
0x48: {  	[hbm4b:s24+s4] =	stream.linear.scatter [tilespmem:s18], [sflag:$0x4], $0x2000, $0x38;
	[tilespmem:$0x11D00] =	vst v63  }
0x49: {  	_ =	swait.ge [sflag:s26], $0x2000  }
0x4a: {  	s30 =	sld [smem:$0x7FD]  }
0x4b: {  	[sflag:s26] =	ssyncset.done $0x0  }
0x4c: {  	[sflag:s26] =	ssyncadd.s32 $0xFFFFE000  }
0x4d: {  	[hbm4b:s30+s4] =	stream.linear.scatter [tilespmem:s19], [sflag:$0x4], $0x2000, $0x38;
	[tilespmem:$0x11D00] =	vst v63  }
0x4e: {  	_ =	swait.ge [sflag:s26], $0x2000  }
0x4f: {  	[sflag:s26] =	ssyncset.done $0x0  }
0x50: {  	[sflag:s26] =	ssyncadd.s32 $0xFFFFE000  }
0x51: {  	[hbm4b:s7+s4] =	stream.linear.scatter [tilespmem:s20], [sflag:$0x4], $0x2000, $0x38;
	[tilespmem:$0x11D00] =	vst v63  }
0x52: {  	_ =	swait.ge [sflag:s26], $0x2000  }
0x53: {  	[sflag:s26] =	ssyncset.done $0x0  }
0x54: {  	[sflag:s26] =	ssyncadd.s32 $0xFFFFE000  }
0x55: {  	[hbm4b:s8+s4] =	stream.linear.scatter [tilespmem:s21], [sflag:$0x4], $0x2000, $0x38;
	[tilespmem:$0x11D00] =	vst v63  }
0x56: {  	_ =	swait.ge [sflag:s26], $0x2000  }
0x57: {  	[sflag:s26] =	ssyncset.done $0x0  }
0x58: {  	[sflag:s26] =	ssyncadd.s32 $0xFFFFE000  }
0x59: {  	[hbm4b:s9+s4] =	stream.linear.scatter [tilespmem:s23], [sflag:$0x4], $0x2000, $0x38;
	[tilespmem:$0x11D00] =	vst v63  }
0x5a: {  	_ =	swait.ge [sflag:s26], $0x2000  }
0x5b: {  	[sflag:s26] =	ssyncset.done $0x0  }
0x5c: {  	[sflag:s26] =	ssyncadd.s32 $0xFFFFE000  }
0x5d: {  	[hbm4b:s10+s4] =	stream.linear.scatter [tilespmem:s25], [sflag:$0x4], $0x2000, $0x38;
	[tilespmem:$0x11D00] =	vst v63  }
0x5e: {  	_ =	swait.ge [sflag:s28], $0x2000  }
0x5f: {  	[sflag:s28] =	ssyncset.done $0x0  }
0x60: {  	[sflag:s28] =	ssyncadd.s32 $0xFFFFE000  }
0x61: {  	_ =	swait.ge [sflag:s28], $0x2000  }
0x62: {  	[sflag:s28] =	ssyncset.done $0x0  }
0x63: {  	[sflag:s28] =	ssyncadd.s32 $0xFFFFE000  }
0x64: {  	_ =	swait.ge [sflag:s28], $0x2000  }
0x65: {  	[sflag:s28] =	ssyncset.done $0x0  }
0x66: {  	[sflag:s28] =	ssyncadd.s32 $0xFFFFE000  }
0x67: {  	_ =	swait.ge [sflag:s28], $0x2000  }
0x68: {  	[sflag:s28] =	ssyncset.done $0x0  }
0x69: {  	[sflag:s28] =	ssyncadd.s32 $0xFFFFE000  }
0x6a: {  	_ =	swait.ge [sflag:s28], $0x2000  }
0x6b: {  	[sflag:s28] =	ssyncset.done $0x0  }
0x6c: {  	[sflag:s28] =	ssyncadd.s32 $0xFFFFE000  }
0x6d: {  	_ =	swait.ge [sflag:s28], $0x2000  }
0x6e: {  	[sflag:s28] =	ssyncset.done $0x0  }
0x6f: {  	[sflag:s28] =	ssyncadd.s32 $0xFFFFE000  }
0x70: {  	_ =	swait.ge [sflag:s28], $0x2000  }
0x71: {  	[sflag:s28] =	ssyncset.done $0x0  }
0x72: {  	[sflag:s28] =	ssyncadd.s32 $0xFFFFE000  }
0x73: {  	_ =	swait.ge [sflag:s28], $0x2000  }
0x74: {  	s29 =	sadd.s32 $0x1, s29;
	s31 =	rddreg [dreg:$0x1a]  }
0x75: {  	p1 =	sne.s32 s29, s31  }
.Ltmp1:
0x76: {  	_ = 	snop;
	(pc) =	sbr.rel @!p1 .LBB2_8-.Ltmp1, $3  }
0x77: {  	_ =	sdelay $0x1  }
0x78: {  	[sflag:s28] =	ssyncset.done $0x0  }
0x79: {  	[sflag:s28] =	ssyncadd.s32 $0xFFFFE000  }
.LBB2_1:
.Ltmp2:
0x7a: {  	(pc) =	sbr.rel @p0 .LBB2_3-.Ltmp2, $4  }
0x7b: {  	s0 =	rddreg [dreg:$0x7]  }
0x7c: {  	[tilespmem:s4], [sflag:$0x1] =	stream.linear.gather [hbm4b:s0+s4], $0x200, $0x38;
	[tilespmem:$0x11D00] =	vst v63  }
0x7d: {  	s31 =	rddreg [dreg:$0x8];
	s1 =	simm.s32 $0x200  }
0x7e: {  	[tilespmem:s1], [sflag:$0x1] =	stream.linear.gather [hbm4b:s31+s4], $0x200, $0x38;
	[tilespmem:$0x11D00] =	vst v63  }
0x7f: {  	s0 =	rddreg [dreg:$0x1];
	s1 =	simm.s32 $0x10840  }
0x80: {  	[tilespmem:s1], [sflag:$0x2] =	stream.strided.gather [hbm4b:s0+s11], $0x0, s12, s11, $0x38;
	[tilespmem:$0x11D00] =	vst v63  }
0x81: {  	_ = 	snop  }
0x82: {  	[tilespmem:s1], [sflag:$0x2] =	stream.linear.gather [hbm4b:s0+s4], $0x40, $0x38;
	[tilespmem:$0x11D00] =	vst v63  }
0x83: {  	s2 =	rddreg [dreg:$0x9];
	s5 =	simm.s32 $0x108C0  }
0x84: {  	[tilespmem:s5], [sflag:$0x2] =	stream.strided.gather [hbm4b:s2+s11], $0x0, s12, s11, $0x38;
	[tilespmem:$0x11D00] =	vst v63  }
0x85: {  	_ = 	snop  }
0x86: {  	[tilespmem:s5], [sflag:$0x2] =	stream.linear.gather [hbm4b:s2+s4], $0x40, $0x38;
	[tilespmem:$0x11D00] =	vst v63  }
0x87: {  	s6 =	rddreg [dreg:$0xa];
	s24 =	simm.s32 $0x10940  }
0x88: {  	[tilespmem:s24], [sflag:$0x2] =	stream.strided.gather [hbm4b:s6+s11], $0x0, s12, s11, $0x38;
	[tilespmem:$0x11D00] =	vst v63  }
0x89: {  	_ = 	snop  }
0x8a: {  	[tilespmem:s24], [sflag:$0x2] =	stream.linear.gather [hbm4b:s6+s4], $0x40, $0x38;
	[tilespmem:$0x11D00] =	vst v63  }
0x8b: {  	s30 =	rddreg [dreg:$0xb];
	s31 =	simm.s32 $0x109C0  }
0x8c: {  	[tilespmem:s31], [sflag:$0x2] =	stream.strided.gather [hbm4b:s30+s11], $0x0, s12, s11, $0x38;
	[tilespmem:$0x11D00] =	vst v63  }
0x8d: {  	_ = 	snop  }
0x8e: {  	[tilespmem:s31], [sflag:$0x2] =	stream.linear.gather [hbm4b:s30+s4], $0x40, $0x38;
	[tilespmem:$0x11D00] =	vst v63  }
0x8f: {  	s2 =	rddreg [dreg:$0xc];
	s5 =	simm.s32 $0x10A40  }
0x90: {  	[tilespmem:s5], [sflag:$0x2] =	stream.strided.gather [hbm4b:s2+s11], $0x0, s12, s11, $0x38;
	[tilespmem:$0x11D00] =	vst v63  }
0x91: {  	_ = 	snop  }
0x92: {  	[tilespmem:s5], [sflag:$0x2] =	stream.linear.gather [hbm4b:s2+s4], $0x40, $0x38;
	[tilespmem:$0x11D00] =	vst v63  }
0x93: {  	s6 =	rddreg [dreg:$0xd];
	s24 =	simm.s32 $0x10AC0  }
0x94: {  	[tilespmem:s24], [sflag:$0x2] =	stream.strided.gather [hbm4b:s6+s11], $0x0, s12, s11, $0x38;
	[tilespmem:$0x11D00] =	vst v63  }
0x95: {  	_ = 	snop  }
0x96: {  	[tilespmem:s24], [sflag:$0x2] =	stream.linear.gather [hbm4b:s6+s4], $0x40, $0x38;
	[tilespmem:$0x11D00] =	vst v63  }
0x97: {  	s30 =	rddreg [dreg:$0xe];
	s31 =	simm.s32 $0x10B40  }
0x98: {  	[tilespmem:s31], [sflag:$0x2] =	stream.strided.gather [hbm4b:s30+s11], $0x0, s12, s11, $0x38;
	[tilespmem:$0x11D00] =	vst v63  }
0x99: {  	_ = 	snop  }
0x9a: {  	[tilespmem:s31], [sflag:$0x2] =	stream.linear.gather [hbm4b:s30+s4], $0x40, $0x38;
	[tilespmem:$0x11D00] =	vst v63  }
0x9b: {  	s2 =	rddreg [dreg:$0xf];
	s5 =	simm.s32 $0x10BC0  }
0x9c: {  	[tilespmem:s5], [sflag:$0x2] =	stream.strided.gather [hbm4b:s2+s11], $0x0, s12, s11, $0x38;
	[tilespmem:$0x11D00] =	vst v63  }
0x9d: {  	_ = 	snop  }
0x9e: {  	[tilespmem:s5], [sflag:$0x2] =	stream.linear.gather [hbm4b:s2+s4], $0x40, $0x38;
	[tilespmem:$0x11D00] =	vst v63  }
0x9f: {  	s6 =	rddreg [dreg:$0x10];
	s24 =	simm.s32 $0x10C40  }
0xa0: {  	[tilespmem:s24], [sflag:$0x2] =	stream.strided.gather [hbm4b:s6+s11], $0x0, s12, s11, $0x38;
	[tilespmem:$0x11D00] =	vst v63  }
0xa1: {  	_ = 	snop  }
0xa2: {  	[tilespmem:s24], [sflag:$0x2] =	stream.linear.gather [hbm4b:s6+s4], $0x40, $0x38;
	[tilespmem:$0x11D00] =	vst v63  }
0xa3: {  	s30 =	rddreg [dreg:$0x11];
	s31 =	simm.s32 $0x10CC0  }
0xa4: {  	[tilespmem:s31], [sflag:$0x2] =	stream.strided.gather [hbm4b:s30+s11], $0x0, s12, s11, $0x38;
	[tilespmem:$0x11D00] =	vst v63  }
0xa5: {  	_ = 	snop  }
0xa6: {  	[tilespmem:s31], [sflag:$0x2] =	stream.linear.gather [hbm4b:s30+s4], $0x40, $0x38;
	[tilespmem:$0x11D00] =	vst v63  }
0xa7: {  	s2 =	rddreg [dreg:$0x12];
	s5 =	simm.s32 $0x10D40  }
0xa8: {  	[tilespmem:s5], [sflag:$0x2] =	stream.strided.gather [hbm4b:s2+s11], $0x0, s12, s11, $0x38;
	[tilespmem:$0x11D00] =	vst v63  }
0xa9: {  	_ = 	snop  }
0xaa: {  	[tilespmem:s5], [sflag:$0x2] =	stream.linear.gather [hbm4b:s2+s4], $0x40, $0x38;
	[tilespmem:$0x11D00] =	vst v63  }
0xab: {  	s6 =	rddreg [dreg:$0x13];
	s24 =	simm.s32 $0x10DC0  }
0xac: {  	[tilespmem:s24], [sflag:$0x2] =	stream.strided.gather [hbm4b:s6+s11], $0x0, s12, s11, $0x38;
	[tilespmem:$0x11D00] =	vst v63  }
0xad: {  	_ = 	snop  }
0xae: {  	[tilespmem:s24], [sflag:$0x2] =	stream.linear.gather [hbm4b:s6+s4], $0x40, $0x38;
	[tilespmem:$0x11D00] =	vst v63  }
0xaf: {  	s30 =	rddreg [dreg:$0x14];
	s31 =	simm.s32 $0x10E40  }
0xb0: {  	[tilespmem:s31], [sflag:$0x2] =	stream.strided.gather [hbm4b:s30+s11], $0x0, s12, s11, $0x38;
	[tilespmem:$0x11D00] =	vst v63  }
0xb1: {  	_ = 	snop  }
0xb2: {  	[tilespmem:s31], [sflag:$0x2] =	stream.linear.gather [hbm4b:s30+s4], $0x40, $0x38;
	[tilespmem:$0x11D00] =	vst v63  }
0xb3: {  	s2 =	rddreg [dreg:$0x15];
	s5 =	simm.s32 $0x10EC0  }
0xb4: {  	[tilespmem:s5], [sflag:$0x2] =	stream.strided.gather [hbm4b:s2+s11], $0x0, s12, s11, $0x38;
	[tilespmem:$0x11D00] =	vst v63  }
0xb5: {  	_ = 	snop  }
0xb6: {  	[tilespmem:s5], [sflag:$0x2] =	stream.linear.gather [hbm4b:s2+s4], $0x40, $0x38;
	[tilespmem:$0x11D00] =	vst v63  }
0xb7: {  	s6 =	rddreg [dreg:$0x17];
	s24 =	simm.s32 $0x10F40  }
0xb8: {  	[tilespmem:s24], [sflag:$0x2] =	stream.strided.gather [hbm4b:s6+s11], $0x0, s12, s11, $0x38;
	[tilespmem:$0x11D00] =	vst v63  }
0xb9: {  	_ = 	snop  }
0xba: {  	[tilespmem:s24], [sflag:$0x2] =	stream.linear.gather [hbm4b:s6+s4], $0x40, $0x38;
	[tilespmem:$0x11D00] =	vst v63  }
0xbb: {  	s30 =	rddreg [dreg:$0x18];
	s31 =	simm.s32 $0x10FC0  }
0xbc: {  	[tilespmem:s31], [sflag:$0x2] =	stream.strided.gather [hbm4b:s30+s11], $0x0, s12, s11, $0x38;
	[tilespmem:$0x11D00] =	vst v63  }
0xbd: {  	_ = 	snop  }
0xbe: {  	[tilespmem:s31], [sflag:$0x2] =	stream.linear.gather [hbm4b:s30+s4], $0x40, $0x38;
	[tilespmem:$0x11D00] =	vst v63  }
0xbf: {  	s2 =	rddreg [dreg:$0x1b];
	s5 =	simm.s32 $0x11040  }
0xc0: {  	[tilespmem:s5], [sflag:$0x2] =	stream.strided.gather [hbm4b:s2+s11], $0x0, s12, s11, $0x38;
	[tilespmem:$0x11D00] =	vst v63  }
0xc1: {  	_ = 	snop  }
0xc2: {  	[tilespmem:s5], [sflag:$0x2] =	stream.linear.gather [hbm4b:s2+s4], $0x40, $0x38;
	[tilespmem:$0x11D00] =	vst v63  }
0xc3: {  	s6 =	rddreg [dreg:$0x1c];
	s24 =	simm.s32 $0x110C0  }
0xc4: {  	[tilespmem:s24], [sflag:$0x2] =	stream.strided.gather [hbm4b:s6+s11], $0x0, s12, s11, $0x38;
	[tilespmem:$0x11D00] =	vst v63  }
0xc5: {  	_ = 	snop  }
0xc6: {  	[tilespmem:s24], [sflag:$0x2] =	stream.linear.gather [hbm4b:s6+s4], $0x40, $0x38;
	[tilespmem:$0x11D00] =	vst v63  }
0xc7: {  	s30 =	rddreg [dreg:$0x1d];
	s31 =	simm.s32 $0x11140  }
0xc8: {  	[tilespmem:s31], [sflag:$0x2] =	stream.strided.gather [hbm4b:s30+s11], $0x0, s12, s11, $0x38;
	[tilespmem:$0x11D00] =	vst v63  }
0xc9: {  	_ = 	snop  }
0xca: {  	[tilespmem:s31], [sflag:$0x2] =	stream.linear.gather [hbm4b:s30+s4], $0x40, $0x38;
	[tilespmem:$0x11D00] =	vst v63  }
0xcb: {  	s2 =	rddreg [dreg:$0x1e];
	s5 =	simm.s32 $0x111C0  }
0xcc: {  	[tilespmem:s5], [sflag:$0x2] =	stream.strided.gather [hbm4b:s2+s11], $0x0, s12, s11, $0x38;
	[tilespmem:$0x11D00] =	vst v63  }
0xcd: {  	_ = 	snop  }
0xce: {  	[tilespmem:s5], [sflag:$0x2] =	stream.linear.gather [hbm4b:s2+s4], $0x40, $0x38;
	[tilespmem:$0x11D00] =	vst v63  }
0xcf: {  	s6 =	rddreg [dreg:$0x1f];
	s24 =	simm.s32 $0x11240  }
0xd0: {  	[tilespmem:s24], [sflag:$0x2] =	stream.strided.gather [hbm4b:s6+s11], $0x0, s12, s11, $0x38;
	[tilespmem:$0x11D00] =	vst v63  }
0xd1: {  	s30 =	sld [smem:$0x7F8]  }
0xd2: {  	[tilespmem:s24], [sflag:$0x2] =	stream.linear.gather [hbm4b:s6+s4], $0x40, $0x38;
	[tilespmem:$0x11D00] =	vst v63  }
0xd3: {  	s31 =	simm.s32 $0x112C0  }
0xd4: {  	[tilespmem:s31], [sflag:$0x2] =	stream.strided.gather [hbm4b:s30+s11], $0x0, s12, s11, $0x38;
	[tilespmem:$0x11D00] =	vst v63  }
0xd5: {  	s2 =	sld [smem:$0x7F9]  }
0xd6: {  	[tilespmem:s31], [sflag:$0x2] =	stream.linear.gather [hbm4b:s30+s4], $0x40, $0x38;
	[tilespmem:$0x11D00] =	vst v63  }
0xd7: {  	s5 =	simm.s32 $0x11340  }
0xd8: {  	[tilespmem:s5], [sflag:$0x2] =	stream.strided.gather [hbm4b:s2+s11], $0x0, s12, s11, $0x38;
	[tilespmem:$0x11D00] =	vst v63  }
0xd9: {  	s6 =	sld [smem:$0x7FA]  }
0xda: {  	[tilespmem:s5], [sflag:$0x2] =	stream.linear.gather [hbm4b:s2+s4], $0x40, $0x38;
	[tilespmem:$0x11D00] =	vst v63  }
0xdb: {  	s24 =	simm.s32 $0x113C0  }
0xdc: {  	[tilespmem:s24], [sflag:$0x2] =	stream.strided.gather [hbm4b:s6+s11], $0x0, s12, s11, $0x38;
	[tilespmem:$0x11D00] =	vst v63  }
0xdd: {  	_ = 	snop  }
0xde: {  	[tilespmem:s24], [sflag:$0x2] =	stream.linear.gather [hbm4b:s6+s4], $0x40, $0x38;
	[tilespmem:$0x11D00] =	vst v63  }
0xdf: {  	s30 =	rddreg [dreg:$0x16];
	s31 =	simm.s32 $0x10800  }
0xe0: {  	[tilespmem:s31], [sflag:$0x2] =	stream.strided.gather [hbm4b:s30+s11], $0x0, s12, s11, $0x38;
	[tilespmem:$0x11D00] =	vst v63  }
0xe1: {  	s6 =	simm.s32 $0x10800  }
0xe2: {  	[tilespmem:s31], [sflag:$0x2] =	stream.linear.gather [hbm4b:s30+s4], $0x40, $0x38;
	[tilespmem:$0x11D00] =	vst v63  }
.LBB2_3:
0xe3: {  	_ =	swait.ge [sflag:s13], $0x200  }
0xe4: {  	[sflag:s13] =	ssyncset.done $0x0  }
0xe5: {  	[sflag:s13] =	ssyncadd.s32 $0xFFFFFE00  }
0xe6: {  	_ =	swait.ge [sflag:s13], $0x200  }
0xe7: {  	[sflag:s13] =	ssyncset.done $0x0  }
0xe8: {  	s30 =	simm.s32 $0x0;
	[sflag:s13] =	ssyncadd.s32 $0xFFFFFE00  }
0xe9: {  	v0 =	vld [tilespmem:s30+$0x0]  }
0xea: {  	s31 =	simm.s32 $0x200  }
0xeb: {  	v1 =	vld [tilespmem:s31+$0x0];
	_ =	sdelay $0x2  }
0xec: {  	v0 =	vmul.u32 $0x18, v0  }
0xed: {  	s0 =	sand.u32 $0x30, s30;
	s2 =	sand.u32 $0x380, s30  }
0xee: {  	s2 =	sor.u32 s0, s2;
	v0 =	vadd.s32 v1, v0  }
0xef: {  	s0 =	simm.s32 $0x10;
	[tilespmem:s2+$0x400] =	vst v0  }
0xf0: {  	s24 =	simm.s32 $0x10;
	s2 =	simm.s32 $0x20;
	v0 =	vld [tilespmem:s0+$0x0]  }
.LBB2_4:
0xf1: {  	p1 =	sne.s32 s2, $0x1F0;
	s31 =	sadd.s32 $0x10, s31  }
0xf2: {  	v1 =	vld [tilespmem:s31+$0x0];
	_ =	sdelay $0x2  }
.Ltmp3:
0xf3: {  	s30 =	sadd.s32 $0x20, s30;
	v0 =	vmul.u32 $0x18, v0;
	(pc) =	sbr.rel @p1 .LBB2_4-.Ltmp3, $4  }
0xf4: {  	s1 =	sand.u32 $0x30, s0;
	s0 =	smov.u32 s2;
	s5 =	sand.u32 $0x380, s30  }
0xf5: {  	s1 =	sor.u32 s1, s5;
	v0 =	vadd.s32 v1, v0  }
0xf6: {  	s24 =	sadd.s32 $0x10, s24;
	[tilespmem:s1+$0x400] =	vst v0  }
0xf7: {  	s2 =	sadd.s32 $0x10, s2;
	v0 =	vld [tilespmem:s24+$0x0]  }
0xf8: {  	s1 =	sadd.s32 $0x10, s31  }
0xf9: {  	v1 =	vld [tilespmem:s1+$0x0];
	_ =	sdelay $0x1  }
.Ltmp4:
0xfa: {  	_ = 	snop;
	(pc) =	sbr.rel @p0 .LBB2_7-.Ltmp4, $4  }
0xfb: {  	s31 =	sadd.s32 $0x20, s30;
	v0 =	vmul.u32 $0x18, v0  }
0xfc: {  	s0 =	sand.u32 $0x30, s0;
	s1 =	sand.u32 $0x380, s31  }
0xfd: {  	s0 =	sor.u32 s0, s1;
	v0 =	vadd.s32 v1, v0  }
0xfe: {  	[tilespmem:s0+$0x400] =	vst v0  }
0xff: {  	_ =	swait.ge [sflag:s14], $0x40  }
0x100: {  	[sflag:s14] =	ssyncset.done $0x0  }
0x101: {  	[sflag:s14] =	ssyncadd.s32 $0xFFFFFFC0  }
0x102: {  	_ =	swait.ge [sflag:s14], $0x40  }
0x103: {  	[sflag:s14] =	ssyncset.done $0x0  }
0x104: {  	[sflag:s14] =	ssyncadd.s32 $0xFFFFFFC0  }
0x105: {  	_ =	swait.ge [sflag:s14], $0x40  }
0x106: {  	[sflag:s14] =	ssyncset.done $0x0  }
0x107: {  	[sflag:s14] =	ssyncadd.s32 $0xFFFFFFC0  }
0x108: {  	_ =	swait.ge [sflag:s14], $0x40  }
0x109: {  	[sflag:s14] =	ssyncset.done $0x0  }
0x10a: {  	[sflag:s14] =	ssyncadd.s32 $0xFFFFFFC0  }
0x10b: {  	_ =	swait.ge [sflag:s14], $0x40  }
0x10c: {  	[sflag:s14] =	ssyncset.done $0x0  }
0x10d: {  	[sflag:s14] =	ssyncadd.s32 $0xFFFFFFC0  }
0x10e: {  	_ =	swait.ge [sflag:s14], $0x40  }
0x10f: {  	[sflag:s14] =	ssyncset.done $0x0  }
0x110: {  	[sflag:s14] =	ssyncadd.s32 $0xFFFFFFC0  }
0x111: {  	_ =	swait.ge [sflag:s14], $0x40  }
0x112: {  	[sflag:s14] =	ssyncset.done $0x0  }
0x113: {  	[sflag:s14] =	ssyncadd.s32 $0xFFFFFFC0  }
0x114: {  	_ =	swait.ge [sflag:s14], $0x40  }
0x115: {  	[sflag:s14] =	ssyncset.done $0x0  }
0x116: {  	[sflag:s14] =	ssyncadd.s32 $0xFFFFFFC0  }
0x117: {  	_ =	swait.ge [sflag:s14], $0x40  }
0x118: {  	[sflag:s14] =	ssyncset.done $0x0  }
0x119: {  	[sflag:s14] =	ssyncadd.s32 $0xFFFFFFC0  }
0x11a: {  	_ =	swait.ge [sflag:s14], $0x40  }
0x11b: {  	[sflag:s14] =	ssyncset.done $0x0  }
0x11c: {  	[sflag:s14] =	ssyncadd.s32 $0xFFFFFFC0  }
0x11d: {  	_ =	swait.ge [sflag:s14], $0x40  }
0x11e: {  	[sflag:s14] =	ssyncset.done $0x0  }
0x11f: {  	[sflag:s14] =	ssyncadd.s32 $0xFFFFFFC0  }
0x120: {  	_ =	swait.ge [sflag:s14], $0x40  }
0x121: {  	[sflag:s14] =	ssyncset.done $0x0  }
0x122: {  	[sflag:s14] =	ssyncadd.s32 $0xFFFFFFC0  }
0x123: {  	_ =	swait.ge [sflag:s14], $0x40  }
0x124: {  	[sflag:s14] =	ssyncset.done $0x0  }
0x125: {  	[sflag:s14] =	ssyncadd.s32 $0xFFFFFFC0  }
0x126: {  	_ =	swait.ge [sflag:s14], $0x40  }
0x127: {  	[sflag:s14] =	ssyncset.done $0x0  }
0x128: {  	[sflag:s14] =	ssyncadd.s32 $0xFFFFFFC0  }
0x129: {  	_ =	swait.ge [sflag:s14], $0x40  }
0x12a: {  	[sflag:s14] =	ssyncset.done $0x0  }
0x12b: {  	[sflag:s14] =	ssyncadd.s32 $0xFFFFFFC0  }
0x12c: {  	_ =	swait.ge [sflag:s14], $0x40  }
0x12d: {  	[sflag:s14] =	ssyncset.done $0x0  }
0x12e: {  	[sflag:s14] =	ssyncadd.s32 $0xFFFFFFC0  }
0x12f: {  	_ =	swait.ge [sflag:s14], $0x40  }
0x130: {  	[sflag:s14] =	ssyncset.done $0x0  }
0x131: {  	[sflag:s14] =	ssyncadd.s32 $0xFFFFFFC0  }
0x132: {  	_ =	swait.ge [sflag:s14], $0x40  }
0x133: {  	[sflag:s14] =	ssyncset.done $0x0  }
0x134: {  	[sflag:s14] =	ssyncadd.s32 $0xFFFFFFC0  }
0x135: {  	_ =	swait.ge [sflag:s14], $0x40  }
0x136: {  	[sflag:s14] =	ssyncset.done $0x0  }
0x137: {  	[sflag:s14] =	ssyncadd.s32 $0xFFFFFFC0  }
0x138: {  	_ =	swait.ge [sflag:s14], $0x40  }
0x139: {  	[sflag:s14] =	ssyncset.done $0x0  }
0x13a: {  	[sflag:s14] =	ssyncadd.s32 $0xFFFFFFC0  }
0x13b: {  	_ =	swait.ge [sflag:s14], $0x40  }
0x13c: {  	[sflag:s14] =	ssyncset.done $0x0  }
0x13d: {  	[sflag:s14] =	ssyncadd.s32 $0xFFFFFFC0  }
0x13e: {  	_ =	swait.ge [sflag:s14], $0x40  }
0x13f: {  	[sflag:s14] =	ssyncset.done $0x0  }
0x140: {  	[sflag:s14] =	ssyncadd.s32 $0xFFFFFFC0  }
0x141: {  	_ =	swait.ge [sflag:s14], $0x40  }
0x142: {  	[sflag:s14] =	ssyncset.done $0x0  }
0x143: {  	[sflag:s14] =	ssyncadd.s32 $0xFFFFFFC0  }
0x144: {  	_ =	swait.ge [sflag:s14], $0x40  }
0x145: {  	[sflag:s14] =	ssyncset.done $0x0  }
0x146: {  	[sflag:s14] =	ssyncadd.s32 $0xFFFFFFC0  }
0x147: {  	_ =	swait.ge [sflag:s14], $0x40  }
0x148: {  	[sflag:s14] =	ssyncset.done $0x0  }
0x149: {  	[sflag:s14] =	ssyncadd.s32 $0xFFFFFFC0  }
0x14a: {  	v0 =	vld [tilespmem:$0x10800];
	_ =	sdelay $0x4  }
0x14b: {  	[tilespmem:$0x10880] =	vst v0  }
0x14c: {  	[tilespmem:$0x10900] =	vst v0  }
0x14d: {  	[tilespmem:$0x10980] =	vst v0  }
0x14e: {  	[tilespmem:$0x10A00] =	vst v0  }
0x14f: {  	[tilespmem:$0x10A80] =	vst v0  }
0x150: {  	[tilespmem:$0x10B00] =	vst v0  }
0x151: {  	[tilespmem:$0x10B80] =	vst v0  }
0x152: {  	[tilespmem:$0x10C00] =	vst v0  }
0x153: {  	[tilespmem:$0x10C80] =	vst v0  }
0x154: {  	[tilespmem:$0x10D00] =	vst v0  }
0x155: {  	[tilespmem:$0x10D80] =	vst v0  }
0x156: {  	[tilespmem:$0x10E00] =	vst v0  }
0x157: {  	[tilespmem:$0x10E80] =	vst v0  }
0x158: {  	[tilespmem:$0x10F00] =	vst v0  }
0x159: {  	[tilespmem:$0x10F80] =	vst v0  }
0x15a: {  	[tilespmem:$0x11000] =	vst v0  }
0x15b: {  	[tilespmem:$0x11080] =	vst v0  }
0x15c: {  	[tilespmem:$0x11100] =	vst v0  }
0x15d: {  	v1 =	vld [tilespmem:$0x10810];
	[tilespmem:$0x11180] =	vst v0  }
0x15e: {  	[tilespmem:$0x11200] =	vst v0  }
0x15f: {  	[tilespmem:$0x11280] =	vst v0  }
0x160: {  	[tilespmem:$0x11300] =	vst v0  }
0x161: {  	[tilespmem:$0x11380] =	vst v0  }
0x162: {  	[tilespmem:$0x10890] =	vst v1  }
0x163: {  	[tilespmem:$0x10910] =	vst v1  }
0x164: {  	[tilespmem:$0x10990] =	vst v1  }
0x165: {  	[tilespmem:$0x10A10] =	vst v1  }
0x166: {  	[tilespmem:$0x10A90] =	vst v1  }
0x167: {  	[tilespmem:$0x10B10] =	vst v1  }
0x168: {  	[tilespmem:$0x10B90] =	vst v1  }
0x169: {  	[tilespmem:$0x10C10] =	vst v1  }
0x16a: {  	[tilespmem:$0x10C90] =	vst v1  }
0x16b: {  	[tilespmem:$0x10D10] =	vst v1  }
0x16c: {  	[tilespmem:$0x10D90] =	vst v1  }
0x16d: {  	[tilespmem:$0x10E10] =	vst v1  }
0x16e: {  	[tilespmem:$0x10E90] =	vst v1  }
0x16f: {  	[tilespmem:$0x10F10] =	vst v1  }
0x170: {  	[tilespmem:$0x10F90] =	vst v1  }
0x171: {  	[tilespmem:$0x11010] =	vst v1  }
0x172: {  	[tilespmem:$0x11090] =	vst v1  }
0x173: {  	[tilespmem:$0x11110] =	vst v1  }
0x174: {  	v62 =	vld [tilespmem:$0x10820];
	[tilespmem:$0x11190] =	vst v1  }
0x175: {  	[tilespmem:$0x11210] =	vst v1  }
0x176: {  	[tilespmem:$0x11290] =	vst v1  }
0x177: {  	[tilespmem:$0x11310] =	vst v1  }
0x178: {  	[tilespmem:$0x11390] =	vst v1  }
0x179: {  	[tilespmem:$0x108A0] =	vst v62  }
0x17a: {  	[tilespmem:$0x10920] =	vst v62  }
0x17b: {  	[tilespmem:$0x109A0] =	vst v62  }
0x17c: {  	[tilespmem:$0x10A20] =	vst v62  }
0x17d: {  	[tilespmem:$0x10AA0] =	vst v62  }
0x17e: {  	[tilespmem:$0x10B20] =	vst v62  }
0x17f: {  	[tilespmem:$0x10BA0] =	vst v62  }
0x180: {  	[tilespmem:$0x10C20] =	vst v62  }
0x181: {  	[tilespmem:$0x10CA0] =	vst v62  }
0x182: {  	[tilespmem:$0x10D20] =	vst v62  }
0x183: {  	[tilespmem:$0x10DA0] =	vst v62  }
0x184: {  	[tilespmem:$0x10E20] =	vst v62  }
0x185: {  	[tilespmem:$0x10EA0] =	vst v62  }
0x186: {  	[tilespmem:$0x10F20] =	vst v62  }
0x187: {  	[tilespmem:$0x10FA0] =	vst v62  }
0x188: {  	[tilespmem:$0x11020] =	vst v62  }
0x189: {  	[tilespmem:$0x110A0] =	vst v62  }
0x18a: {  	[tilespmem:$0x11120] =	vst v62  }
0x18b: {  	v63 =	vld [tilespmem:$0x10830];
	[tilespmem:$0x111A0] =	vst v62  }
0x18c: {  	[tilespmem:$0x11220] =	vst v62  }
0x18d: {  	[tilespmem:$0x112A0] =	vst v62  }
0x18e: {  	[tilespmem:$0x11320] =	vst v62  }
0x18f: {  	[tilespmem:$0x113A0] =	vst v62  }
0x190: {  	[tilespmem:$0x108B0] =	vst v63  }
0x191: {  	[tilespmem:$0x10930] =	vst v63  }
0x192: {  	[tilespmem:$0x109B0] =	vst v63  }
0x193: {  	[tilespmem:$0x10A30] =	vst v63  }
0x194: {  	[tilespmem:$0x10AB0] =	vst v63  }
0x195: {  	[tilespmem:$0x10B30] =	vst v63  }
0x196: {  	[tilespmem:$0x10BB0] =	vst v63  }
0x197: {  	[tilespmem:$0x10C30] =	vst v63  }
0x198: {  	[tilespmem:$0x10CB0] =	vst v63  }
0x199: {  	[tilespmem:$0x10D30] =	vst v63  }
0x19a: {  	[tilespmem:$0x10DB0] =	vst v63  }
0x19b: {  	[tilespmem:$0x10E30] =	vst v63  }
0x19c: {  	[tilespmem:$0x10EB0] =	vst v63  }
0x19d: {  	[tilespmem:$0x10F30] =	vst v63  }
0x19e: {  	[tilespmem:$0x10FB0] =	vst v63  }
0x19f: {  	[tilespmem:$0x11030] =	vst v63  }
0x1a0: {  	[tilespmem:$0x110B0] =	vst v63  }
0x1a1: {  	[tilespmem:$0x11130] =	vst v63  }
0x1a2: {  	[tilespmem:$0x111B0] =	vst v63  }
0x1a3: {  	[tilespmem:$0x11230] =	vst v63  }
0x1a4: {  	[tilespmem:$0x112B0] =	vst v63  }
0x1a5: {  	[tilespmem:$0x11330] =	vst v63  }
.Ltmp5:
0x1a6: {  	s0 =	rddreg [dreg:$0x19];
	[tilespmem:$0x113B0] =	vst v63;
	(pc) =	sbr.rel .LBB2_7-.Ltmp5, $4  }
0x1a7: {  	[spmem:s0] =	stream.linear.scatter [tilespmem:s6], [sflag:$0x2], $0xC00, $0x38;
	[tilespmem:$0x11D00] =	vst v63  }
0x1a8: {  	_ =	swait.ge [sflag:s14], $0xC00  }
0x1a9: {  	[sflag:s14] =	ssyncset.done $0x0  }
0x1aa: {  	[sflag:s14] =	ssyncadd.s32 $0xFFFFF400  }
.LBB2_8:
0x1ab: {  	_ =	sfence.sel $0x180000  }
0x1ac: {  	[bflag:$0x0] =	sbarrier.arrive $0xFFFF  }
0x1ad: {  	_ =	strace $0x90000047  }
0x1ae: {  	s0 =	stileid.u32;
	[bflag:$0x2] =	sbarrier.arrive $0xFFFF  }
0x1af: {  	p0 =	sne.s32 s0, $0x0;
	s0 =	rddreg [dreg:$0x6]  }
0x1b0: {  	s0 =	sadd.s32 @!p0 $0x100000, s0  }
0x1b1: {  	[sflag:s0] =	ssyncadd.tile.s32 @!p0 $0x1;
	_ =	shalt  }
.Lfunc_end2:
_tile_overlayer_lowered:
.L_overlay_start_2:
0x1b2: {  	(tag) =	ssettag $0x2  }
0x1b3: {  	s0 =	rddreg [dreg:$0x0];
	s2 =	stileid.u32  }
0x1b4: {  	s1 =	rddreg [dreg:$0x1];
	p0 =	sne.s32 s2, $0x0  }
0x1b5: {  	s3 =	rddreg [dreg:$0x2];
	[bflag:$0x3] =	sbarrier.arrive $0xFFFF;
	s2 =	simm.s32 @!p0 $0x1C05  }
0x1b6: {  	[timem:s3], [sflag:s2] =	dma.local @!p0 [hbm:s0], s1  }
0x1b7: {  	s0 =	simm.s32 @!p0 $0x5  }
0x1b8: {  	_ =	swait.ge @!p0 [sflag:s0], s1  }
0x1b9: {  	s1 =	ssub.s32 @!p0 $0x0, s1;
	[sflag:s0] =	ssyncset.done @!p0 $0x0  }
0x1ba: {  	[sflag:s0] =	ssyncadd.s32 @!p0 s1  }
0x1bb: {  	[bflag:$0x3] =	sbarrier.arrive $0xFFFF  }
0x1bc: {  	_ =	shalt  }

</sc_bundles>
